<compile_context>
chip_gen: v7x
topology: tpu7x:2x2x1
jax: 0.10.2.dev20260603
libtpu: 0.0.44.dev20260713+nightly
codegen_flags: <defaults>
</compile_context>

<pallas_src>
import functools

import jax
import jax.numpy as jnp
from jax import lax
from jax.experimental import pallas as pl
from jax.experimental.pallas import tpu as pltpu
from jax.experimental.pallas import tpu_sc as plsc

N_NODES = 10000
N_EDGES = 320000
DIM = 128
HD = DIM // 2

NC = 2
NS = 16
CH = 128
NCHUNK = 157
EPT = NCHUNK * CH
E_PAD = NS * EPT
NBUF = 6
N_PAD = 10240
RPT = N_PAD // NS
ZCH = 120
LANES = 16
GARBAGE = N_PAD - 1


def _sc_aggregate(x2, e4):
    mesh = plsc.VectorSubcoreMesh(core_axis_name="c", subcore_axis_name="s")

    @functools.partial(
        pl.kernel,
        mesh=mesh,
        out_type=jax.ShapeDtypeStruct((N_PAD, DIM), jnp.float32),
        compiler_params=pltpu.CompilerParams(use_tc_tiling_on_sc=False),
        scratch_types=[
            pltpu.VMEM((NCHUNK, CH), jnp.int32),
            pltpu.VMEM((NCHUNK, CH), jnp.int32),
            pltpu.VMEM((NBUF, CH, HD), jnp.float32),
            pltpu.VMEM_SHARED((N_PAD, HD), jnp.float32),
            pltpu.SemaphoreType.DMA,
            pltpu.SemaphoreType.DMA,
        ],
    )
    def k(x_hbm, e_hbm, out_hbm, sidx, didx, rows, acc, gsem, ssem):
        c = lax.axis_index("c")
        s = lax.axis_index("s")

        pltpu.sync_copy(e_hbm.at[0, s], sidx)
        pltpu.sync_copy(e_hbm.at[1, s], didx)

        def trow(i):
            def tcol(j, _):
                sl = pl.ds(j * LANES, LANES)
                sidx[i, sl] = 2 * sidx[i, sl] + c
                return 0
            lax.fori_loop(0, CH // LANES, tcol, 0)

        for p in range(NBUF - 1):
            trow(p)
            pltpu.async_copy(x_hbm.at[sidx.at[p]], rows.at[p], gsem)

        def zbody(t, _):
            i = t // (HD // LANES)
            j = t % (HD // LANES)
            rows[NBUF - 1, i, pl.ds(j * LANES, LANES)] = jnp.zeros(
                (LANES,), jnp.float32)
            return 0
        lax.fori_loop(0, ZCH * (HD // LANES), zbody, 0)
        for j in range(RPT // ZCH + 1):
            rr = min(ZCH, RPT - j * ZCH)
            pltpu.sync_copy(rows.at[NBUF - 1, pl.ds(0, rr)],
                            acc.at[pl.ds(s * RPT + j * ZCH, rr)])
        plsc.subcore_barrier()

        def chunk_body(i, _):
            b = lax.rem(i, NBUF)
            pltpu.make_async_copy(
                x_hbm.at[sidx.at[i]], rows.at[b], gsem).wait()
            pltpu.async_copy(rows.at[b], acc.at[didx.at[i]], ssem, add=True)

            nxt = i + NBUF - 1
            nb = lax.rem(nxt, NBUF)

            @pl.when(nxt < NCHUNK)
            def _prefetch():
                @pl.when(i >= 1)
                def _drain_one():
                    pltpu.make_async_copy(
                        rows.at[nb], acc.at[didx.at[i]], ssem).wait()
                trow(nxt)
                pltpu.async_copy(x_hbm.at[sidx.at[nxt]], rows.at[nb], gsem)
            return 0
        lax.fori_loop(0, NCHUNK, chunk_body, 0)

        for p in range(NBUF):
            pltpu.make_async_copy(
                rows.at[p], acc.at[didx.at[0]], ssem).wait()

        plsc.subcore_barrier()
        pltpu.sync_copy(acc.at[pl.ds(s * RPT, RPT)],
                        out_hbm.at[pl.ds(s * RPT, RPT), pl.ds(c * HD, HD)])

    return k(x2, e4)


def _tc_combine(x, agg, W1t, W2t):
    BR = 5000
    grid = N_NODES // BR

    def body(x_ref, a_ref, w1_ref, w2_ref, o_ref):
        acc = jnp.dot(x_ref[...], w1_ref[...],
                      preferred_element_type=jnp.float32)
        acc += jnp.dot(a_ref[...], w2_ref[...],
                       preferred_element_type=jnp.float32)
        o_ref[...] = jnp.maximum(acc, 0.0)

    return pl.pallas_call(
        body,
        grid=(grid,),
        in_specs=[
            pl.BlockSpec((BR, DIM), lambda i: (i, 0)),
            pl.BlockSpec((BR, DIM), lambda i: (i, 0)),
            pl.BlockSpec((DIM, DIM), lambda i: (0, 0)),
            pl.BlockSpec((DIM, DIM), lambda i: (0, 0)),
        ],
        out_specs=pl.BlockSpec((BR, DIM), lambda i: (i, 0)),
        out_shape=jax.ShapeDtypeStruct((N_NODES, DIM), jnp.float32),
    )(x, agg, W1t, W2t)


def kernel(x, edge_index, W1, W2):
    edges = edge_index.astype(jnp.int32)
    npad = E_PAD - N_EDGES
    pad_dst = N_NODES + jax.lax.rem(jnp.arange(npad, dtype=jnp.int32),
                                    jnp.int32(N_PAD - N_NODES))
    pad_src = jax.lax.rem(jnp.arange(npad, dtype=jnp.int32),
                          jnp.int32(N_NODES))
    pad = jnp.stack([pad_src, pad_dst])
    e4 = jnp.concatenate([edges, pad], axis=1).reshape(2, NS, NCHUNK, CH)
    x2 = x.reshape(2 * N_NODES, HD)
    agg = _sc_aggregate(x2, e4)
    return _tc_combine(x, agg, W1.T, W2.T)

# --- scband reference (transcript-rebuilt; emitter-appended) ---
"""Pipeline reference for scband-hierarchical123-gnn-10797547782339 (READ-ONLY COPY).

The authoritative reference and input builder live on the scoring server;
editing this copy changes nothing except your own understanding.
"""

import jax, jax.numpy as jnp
import numpy as np

N_NODES = 10000
N_EDGES = 320000
IN_DIM = 128
OUT_DIM = 128


def setup_inputs(seed: int = 0) -> dict:
    key = jax.random.key(seed)
    k1, k2, k3, k4 = jax.random.split(key, 4)
    x = jax.random.normal(k1, (N_NODES, IN_DIM), dtype=jnp.float32)
    edge_index = jax.random.randint(k2, (2, N_EDGES), 0, N_NODES, dtype=jnp.int64)
    # nn.Linear(in_dim, out_dim, bias=False) weights have shape [out_dim, in_dim]
    bound = 1.0 / np.sqrt(IN_DIM)
    W1 = jax.random.uniform(k3, (OUT_DIM, IN_DIM), dtype=jnp.float32, minval=-bound, maxval=bound)
    W2 = jax.random.uniform(k4, (OUT_DIM, IN_DIM), dtype=jnp.float32, minval=-bound, maxval=bound)
    return {"x": x, "edge_index": edge_index, "W1": W1, "W2": W2}


def reference(x, edge_index, W1, W2):
    # f(v) = relu( x[v] @ W1^T + sum_{u in N(v)} x[u] @ W2^T )
    self_part = x @ W1.T
    src_feats = jnp.take(x, edge_index[0], axis=0) @ W2.T  # gather sources, transform
    neighbor_part = jnp.zeros_like(self_part).at[edge_index[1]].add(src_feats)  # scatter-add to dst
    return jax.nn.relu(self_part + neighbor_part)

if __name__ == "__main__":
    import jax
    _d = setup_inputs()
    print(jax.jit(kernel)(*tuple(_d.values())))

</pallas_src>

<mosaic_0001>
#map = affine_map<(d0, d1) -> (0, 0)>
#map1 = affine_map<(d0, d1) -> (0, 0, 0, 0)>
module attributes {stable_mosaic.version = 14 : i64} {
  func.func @k(%arg0: i32, %arg1: i32, %arg2: memref<20000x64xf32, #tpu.memory_space<hbm>>, %arg3: memref<2x16x157x128xi32, #tpu.memory_space<hbm>>, %arg4: memref<10240x128xf32, #tpu.memory_space<hbm>>, %arg5: memref<157x128xi32, #tpu.memory_space<vmem>>, %arg6: memref<157x128xi32, #tpu.memory_space<vmem>>, %arg7: memref<6x128x64xf32, #tpu.memory_space<vmem>>, %arg8: memref<10240x64xf32, #tpu.memory_space<vmem_shared>>, %arg9: memref<!tpu.dma_semaphore, #tpu.memory_space<semaphore_mem>>, %arg10: memref<!tpu.dma_semaphore, #tpu.memory_space<semaphore_mem>>) attributes {dimension_semantics = [#tpu.dimension_semantics<core_parallel>, #tpu.dimension_semantics<subcore_parallel>], iteration_bounds = array<i64: 2, 16>, scalar_prefetch = 0 : i64, scratch_operands = 6 : i64, tpu.core_type = #tpu.core_type<sc_vector_subcore>, window_params = [{transform_indices = #map}, {transform_indices = #map1}, {transform_indices = #map}]} {
    %run_scoped3A = arith.constant 0 : i32
    "tpu.region"() ({
      %run_scoped3A_214 = tpu.sem_alloc : memref<!tpu.dma_semaphore, #tpu.memory_space<semaphore_mem>>
      %dma_start3A_215 = arith.constant 0 : i32
      %dma_start3A_216 = arith.constant 0 : i32
      %dma_start3A_217 = tpu.memref_slice %arg3[%run_scoped3A, %arg1, %dma_start3A_215, %dma_start3A_216] : memref<2x16x157x128xi32, #tpu.memory_space<hbm>> -> memref<1x1x157x128xi32, #tpu.memory_space<hbm>>
      %dma_start3A_218 = tpu.memref_squeeze %dma_start3A_217 : memref<1x1x157x128xi32, #tpu.memory_space<hbm>> -> memref<157x128xi32, #tpu.memory_space<hbm>>
      %dma_start3A_219 = arith.constant 0 : i32
      %dma_start3A_220 = arith.constant 0 : i32
      %dma_start3A_221 = tpu.memref_slice %arg3[%run_scoped3A, %arg1, %dma_start3A_219, %dma_start3A_220] : memref<2x16x157x128xi32, #tpu.memory_space<hbm>> -> memref<1x1x157x128xi32, #tpu.memory_space<hbm>>
      %dma_start3A_222 = tpu.memref_squeeze %dma_start3A_221 : memref<1x1x157x128xi32, #tpu.memory_space<hbm>> -> memref<157x128xi32, #tpu.memory_space<hbm>>
      tpu.enqueue_dma source(%dma_start3A_222 : memref<157x128xi32, #tpu.memory_space<hbm>>) target(%arg5 : memref<157x128xi32, #tpu.memory_space<vmem>>) target_semaphore(%run_scoped3A_214 : memref<!tpu.dma_semaphore, #tpu.memory_space<semaphore_mem>>)
      %dma_wait3A_223 = arith.constant 0 : i32
      %dma_wait3A_224 = arith.constant 0 : i32
      %dma_wait3A_225 = tpu.memref_slice %arg3[%run_scoped3A, %arg1, %dma_wait3A_223, %dma_wait3A_224] : memref<2x16x157x128xi32, #tpu.memory_space<hbm>> -> memref<1x1x157x128xi32, #tpu.memory_space<hbm>>
      %dma_wait3A_226 = tpu.memref_squeeze %dma_wait3A_225 : memref<1x1x157x128xi32, #tpu.memory_space<hbm>> -> memref<157x128xi32, #tpu.memory_space<hbm>>
      %dma_wait3A_227 = arith.constant 0 : i32
      %dma_wait3A_228 = arith.constant 0 : i32
      %dma_wait3A_229 = tpu.memref_slice %arg3[%run_scoped3A, %arg1, %dma_wait3A_227, %dma_wait3A_228] : memref<2x16x157x128xi32, #tpu.memory_space<hbm>> -> memref<1x1x157x128xi32, #tpu.memory_space<hbm>>
      %dma_wait3A_230 = tpu.memref_squeeze %dma_wait3A_229 : memref<1x1x157x128xi32, #tpu.memory_space<hbm>> -> memref<157x128xi32, #tpu.memory_space<hbm>>
      tpu.wait_dma2 semaphore(%run_scoped3A_214 : memref<!tpu.dma_semaphore, #tpu.memory_space<semaphore_mem>>) src(%dma_wait3A_230 : memref<157x128xi32, #tpu.memory_space<hbm>>) dst(%arg5 : memref<157x128xi32, #tpu.memory_space<vmem>>)
      tpu.yield
    }) : () -> ()
    %run_scoped3A_0 = arith.constant 1 : i32
    "tpu.region"() ({
      %run_scoped3A_214 = tpu.sem_alloc : memref<!tpu.dma_semaphore, #tpu.memory_space<semaphore_mem>>
      %dma_start3A_215 = arith.constant 0 : i32
      %dma_start3A_216 = arith.constant 0 : i32
      %dma_start3A_217 = tpu.memref_slice %arg3[%run_scoped3A_0, %arg1, %dma_start3A_215, %dma_start3A_216] : memref<2x16x157x128xi32, #tpu.memory_space<hbm>> -> memref<1x1x157x128xi32, #tpu.memory_space<hbm>>
      %dma_start3A_218 = tpu.memref_squeeze %dma_start3A_217 : memref<1x1x157x128xi32, #tpu.memory_space<hbm>> -> memref<157x128xi32, #tpu.memory_space<hbm>>
      %dma_start3A_219 = arith.constant 0 : i32
      %dma_start3A_220 = arith.constant 0 : i32
      %dma_start3A_221 = tpu.memref_slice %arg3[%run_scoped3A_0, %arg1, %dma_start3A_219, %dma_start3A_220] : memref<2x16x157x128xi32, #tpu.memory_space<hbm>> -> memref<1x1x157x128xi32, #tpu.memory_space<hbm>>
      %dma_start3A_222 = tpu.memref_squeeze %dma_start3A_221 : memref<1x1x157x128xi32, #tpu.memory_space<hbm>> -> memref<157x128xi32, #tpu.memory_space<hbm>>
      tpu.enqueue_dma source(%dma_start3A_222 : memref<157x128xi32, #tpu.memory_space<hbm>>) target(%arg6 : memref<157x128xi32, #tpu.memory_space<vmem>>) target_semaphore(%run_scoped3A_214 : memref<!tpu.dma_semaphore, #tpu.memory_space<semaphore_mem>>)
      %dma_wait3A_223 = arith.constant 0 : i32
      %dma_wait3A_224 = arith.constant 0 : i32
      %dma_wait3A_225 = tpu.memref_slice %arg3[%run_scoped3A_0, %arg1, %dma_wait3A_223, %dma_wait3A_224] : memref<2x16x157x128xi32, #tpu.memory_space<hbm>> -> memref<1x1x157x128xi32, #tpu.memory_space<hbm>>
      %dma_wait3A_226 = tpu.memref_squeeze %dma_wait3A_225 : memref<1x1x157x128xi32, #tpu.memory_space<hbm>> -> memref<157x128xi32, #tpu.memory_space<hbm>>
      %dma_wait3A_227 = arith.constant 0 : i32
      %dma_wait3A_228 = arith.constant 0 : i32
      %dma_wait3A_229 = tpu.memref_slice %arg3[%run_scoped3A_0, %arg1, %dma_wait3A_227, %dma_wait3A_228] : memref<2x16x157x128xi32, #tpu.memory_space<hbm>> -> memref<1x1x157x128xi32, #tpu.memory_space<hbm>>
      %dma_wait3A_230 = tpu.memref_squeeze %dma_wait3A_229 : memref<1x1x157x128xi32, #tpu.memory_space<hbm>> -> memref<157x128xi32, #tpu.memory_space<hbm>>
      tpu.wait_dma2 semaphore(%run_scoped3A_214 : memref<!tpu.dma_semaphore, #tpu.memory_space<semaphore_mem>>) src(%dma_wait3A_230 : memref<157x128xi32, #tpu.memory_space<hbm>>) dst(%arg6 : memref<157x128xi32, #tpu.memory_space<vmem>>)
      tpu.yield
    }) : () -> ()
    %scan3A = arith.constant 0 : i32
    %scan3A_1 = arith.constant 0 : i32
    %scan3A_2 = arith.constant 8 : i32
    %scan3A_3 = arith.addi %scan3A_1, %scan3A_2 : i32
    %scan3A_4 = arith.constant 1 : i32
    %scan3A_5 = scf.for %scan3A_214 = %scan3A_1 to %scan3A_3 step %scan3A_4 iter_args(%scan3A_215 = %scan3A) -> (i32)  : i32 {
      %mul3A_216 = arith.constant 16 : i32
      %mul3A_217 = arith.muli %scan3A_214, %mul3A_216 : i32
      %get3A = arith.constant 0 : i32
      %get3A_218 = arith.index_cast %get3A : i32 to index
      %get3A_219 = arith.index_cast %mul3A_217 : i32 to index
      %get3A_220 = tpu.vector_load %arg5[%get3A_218, %get3A_219] {strides = array<i32>} : memref<157x128xi32, #tpu.memory_space<vmem>>, vector<1x16xi32>,
      %get3A_221 = vector.shape_cast %get3A_220 : vector<1x16xi32> to vector<16xi32>
      %mul3A_222 = arith.constant 2 : i32
      %mul3A_223 = vector.broadcast %mul3A_222 : i32 to vector<16xi32>
      %mul3A_224 = arith.muli %mul3A_223, %get3A_221 : vector<16xi32>
      %add3A_225 = vector.broadcast %arg0 : i32 to vector<16xi32>
      %add3A_226 = arith.addi %mul3A_224, %add3A_225 : vector<16xi32>
      %swap3A = arith.constant 0 : i32
      %swap3A_227 = arith.index_cast %swap3A : i32 to index
      %swap3A_228 = arith.index_cast %mul3A_217 : i32 to index
      %swap3A_229 = tpu.vector_load %arg5[%swap3A_227, %swap3A_228] {strides = array<i32>} : memref<157x128xi32, #tpu.memory_space<vmem>>, vector<1x16xi32>,
      %swap3A_230 = vector.shape_cast %swap3A_229 : vector<1x16xi32> to vector<16xi32>
      %swap3A_231 = vector.shape_cast %add3A_226 : vector<16xi32> to vector<1x16xi32>
      tpu.vector_store %arg5[%swap3A_227, %swap3A_228], %swap3A_231 {strides = array<i32>} : memref<157x128xi32, #tpu.memory_space<vmem>>, vector<1x16xi32>,
      %scan3A_232 = arith.constant 0 : i32
      scf.yield %scan3A_232 : i32
    }
    %scan3A_6 = arith.constant 8 : i32
    %dma_start3A = arith.constant 0 : i32
    %dma_start3A_7 = arith.constant 0 : i32
    %dma_start3A_8 = arith.constant 0 : i32
    %dma_start3A_9 = arith.constant 0 : i32
    %dma_start3A_10 = tpu.memref_slice %arg7[%dma_start3A_7, %dma_start3A_8, %dma_start3A_9] : memref<6x128x64xf32, #tpu.memory_space<vmem>> -> memref<1x128x64xf32, #tpu.memory_space<vmem>>
    %dma_start3A_11 = tpu.memref_squeeze %dma_start3A_10 : memref<1x128x64xf32, #tpu.memory_space<vmem>> -> memref<128x64xf32, #tpu.memory_space<vmem>>
    %dma_start3A_12 = arith.constant 0 : i32
    %dma_start3A_13 = tpu.memref_slice %arg5[%dma_start3A, %dma_start3A_12] : memref<157x128xi32, #tpu.memory_space<vmem>> -> memref<1x128xi32, #tpu.memory_space<vmem>>
    %dma_start3A_14 = tpu.memref_squeeze %dma_start3A_13 : memref<1x128xi32, #tpu.memory_space<vmem>> -> memref<128xi32, #tpu.memory_space<vmem>>
    %dma_start3A_15 = arith.constant 0 : i32
    %dma_start3A_16 = arith.constant 0 : i32
    %dma_start3A_17 = tpu.memref_slice %arg2[%dma_start3A_15, %dma_start3A_16] : memref<20000x64xf32, #tpu.memory_space<hbm>> -> memref<20000x64xf32, #tpu.memory_space<hbm>>
    tpu.enqueue_indirect_dma source(%dma_start3A_17 : memref<20000x64xf32, #tpu.memory_space<hbm>>) target(%dma_start3A_11 : memref<128x64xf32, #tpu.memory_space<vmem>>) offsets(%dma_start3A_14 : memref<128xi32, #tpu.memory_space<vmem>>) semaphore(%arg9 : memref<!tpu.dma_semaphore, #tpu.memory_space<semaphore_mem>>)
    %scan3A_18 = arith.constant 0 : i32
    %scan3A_19 = arith.constant 0 : i32
    %scan3A_20 = arith.constant 8 : i32
    %scan3A_21 = arith.addi %scan3A_19, %scan3A_20 : i32
    %scan3A_22 = arith.constant 1 : i32
    %scan3A_23 = scf.for %scan3A_214 = %scan3A_19 to %scan3A_21 step %scan3A_22 iter_args(%scan3A_215 = %scan3A_18) -> (i32)  : i32 {
      %mul3A_216 = arith.constant 16 : i32
      %mul3A_217 = arith.muli %scan3A_214, %mul3A_216 : i32
      %get3A = arith.constant 1 : i32
      %get3A_218 = arith.index_cast %get3A : i32 to index
      %get3A_219 = arith.index_cast %mul3A_217 : i32 to index
      %get3A_220 = tpu.vector_load %arg5[%get3A_218, %get3A_219] {strides = array<i32>} : memref<157x128xi32, #tpu.memory_space<vmem>>, vector<1x16xi32>,
      %get3A_221 = vector.shape_cast %get3A_220 : vector<1x16xi32> to vector<16xi32>
      %mul3A_222 = arith.constant 2 : i32
      %mul3A_223 = vector.broadcast %mul3A_222 : i32 to vector<16xi32>
      %mul3A_224 = arith.muli %mul3A_223, %get3A_221 : vector<16xi32>
      %add3A_225 = vector.broadcast %arg0 : i32 to vector<16xi32>
      %add3A_226 = arith.addi %mul3A_224, %add3A_225 : vector<16xi32>
      %swap3A = arith.constant 1 : i32
      %swap3A_227 = arith.index_cast %swap3A : i32 to index
      %swap3A_228 = arith.index_cast %mul3A_217 : i32 to index
      %swap3A_229 = tpu.vector_load %arg5[%swap3A_227, %swap3A_228] {strides = array<i32>} : memref<157x128xi32, #tpu.memory_space<vmem>>, vector<1x16xi32>,
      %swap3A_230 = vector.shape_cast %swap3A_229 : vector<1x16xi32> to vector<16xi32>
      %swap3A_231 = vector.shape_cast %add3A_226 : vector<16xi32> to vector<1x16xi32>
      tpu.vector_store %arg5[%swap3A_227, %swap3A_228], %swap3A_231 {strides = array<i32>} : memref<157x128xi32, #tpu.memory_space<vmem>>, vector<1x16xi32>,
      %scan3A_232 = arith.constant 0 : i32
      scf.yield %scan3A_232 : i32
    }
    %scan3A_24 = arith.constant 8 : i32
    %dma_start3A_25 = arith.constant 1 : i32
    %dma_start3A_26 = arith.constant 1 : i32
    %dma_start3A_27 = arith.constant 0 : i32
    %dma_start3A_28 = arith.constant 0 : i32
    %dma_start3A_29 = tpu.memref_slice %arg7[%dma_start3A_26, %dma_start3A_27, %dma_start3A_28] : memref<6x128x64xf32, #tpu.memory_space<vmem>> -> memref<1x128x64xf32, #tpu.memory_space<vmem>>
    %dma_start3A_30 = tpu.memref_squeeze %dma_start3A_29 : memref<1x128x64xf32, #tpu.memory_space<vmem>> -> memref<128x64xf32, #tpu.memory_space<vmem>>
    %dma_start3A_31 = arith.constant 0 : i32
    %dma_start3A_32 = tpu.memref_slice %arg5[%dma_start3A_25, %dma_start3A_31] : memref<157x128xi32, #tpu.memory_space<vmem>> -> memref<1x128xi32, #tpu.memory_space<vmem>>
    %dma_start3A_33 = tpu.memref_squeeze %dma_start3A_32 : memref<1x128xi32, #tpu.memory_space<vmem>> -> memref<128xi32, #tpu.memory_space<vmem>>
    %dma_start3A_34 = arith.constant 0 : i32
    %dma_start3A_35 = arith.constant 0 : i32
    %dma_start3A_36 = tpu.memref_slice %arg2[%dma_start3A_34, %dma_start3A_35] : memref<20000x64xf32, #tpu.memory_space<hbm>> -> memref<20000x64xf32, #tpu.memory_space<hbm>>
    tpu.enqueue_indirect_dma source(%dma_start3A_36 : memref<20000x64xf32, #tpu.memory_space<hbm>>) target(%dma_start3A_30 : memref<128x64xf32, #tpu.memory_space<vmem>>) offsets(%dma_start3A_33 : memref<128xi32, #tpu.memory_space<vmem>>) semaphore(%arg9 : memref<!tpu.dma_semaphore, #tpu.memory_space<semaphore_mem>>)
    %scan3A_37 = arith.constant 0 : i32
    %scan3A_38 = arith.constant 0 : i32
    %scan3A_39 = arith.constant 8 : i32
    %scan3A_40 = arith.addi %scan3A_38, %scan3A_39 : i32
    %scan3A_41 = arith.constant 1 : i32
    %scan3A_42 = scf.for %scan3A_214 = %scan3A_38 to %scan3A_40 step %scan3A_41 iter_args(%scan3A_215 = %scan3A_37) -> (i32)  : i32 {
      %mul3A_216 = arith.constant 16 : i32
      %mul3A_217 = arith.muli %scan3A_214, %mul3A_216 : i32
      %get3A = arith.constant 2 : i32
      %get3A_218 = arith.index_cast %get3A : i32 to index
      %get3A_219 = arith.index_cast %mul3A_217 : i32 to index
      %get3A_220 = tpu.vector_load %arg5[%get3A_218, %get3A_219] {strides = array<i32>} : memref<157x128xi32, #tpu.memory_space<vmem>>, vector<1x16xi32>,
      %get3A_221 = vector.shape_cast %get3A_220 : vector<1x16xi32> to vector<16xi32>
      %mul3A_222 = arith.constant 2 : i32
      %mul3A_223 = vector.broadcast %mul3A_222 : i32 to vector<16xi32>
      %mul3A_224 = arith.muli %mul3A_223, %get3A_221 : vector<16xi32>
      %add3A_225 = vector.broadcast %arg0 : i32 to vector<16xi32>
      %add3A_226 = arith.addi %mul3A_224, %add3A_225 : vector<16xi32>
      %swap3A = arith.constant 2 : i32
      %swap3A_227 = arith.index_cast %swap3A : i32 to index
      %swap3A_228 = arith.index_cast %mul3A_217 : i32 to index
      %swap3A_229 = tpu.vector_load %arg5[%swap3A_227, %swap3A_228] {strides = array<i32>} : memref<157x128xi32, #tpu.memory_space<vmem>>, vector<1x16xi32>,
      %swap3A_230 = vector.shape_cast %swap3A_229 : vector<1x16xi32> to vector<16xi32>
      %swap3A_231 = vector.shape_cast %add3A_226 : vector<16xi32> to vector<1x16xi32>
      tpu.vector_store %arg5[%swap3A_227, %swap3A_228], %swap3A_231 {strides = array<i32>} : memref<157x128xi32, #tpu.memory_space<vmem>>, vector<1x16xi32>,
      %scan3A_232 = arith.constant 0 : i32
      scf.yield %scan3A_232 : i32
    }
    %scan3A_43 = arith.constant 8 : i32
    %dma_start3A_44 = arith.constant 2 : i32
    %dma_start3A_45 = arith.constant 2 : i32
    %dma_start3A_46 = arith.constant 0 : i32
    %dma_start3A_47 = arith.constant 0 : i32
    %dma_start3A_48 = tpu.memref_slice %arg7[%dma_start3A_45, %dma_start3A_46, %dma_start3A_47] : memref<6x128x64xf32, #tpu.memory_space<vmem>> -> memref<1x128x64xf32, #tpu.memory_space<vmem>>
    %dma_start3A_49 = tpu.memref_squeeze %dma_start3A_48 : memref<1x128x64xf32, #tpu.memory_space<vmem>> -> memref<128x64xf32, #tpu.memory_space<vmem>>
    %dma_start3A_50 = arith.constant 0 : i32
    %dma_start3A_51 = tpu.memref_slice %arg5[%dma_start3A_44, %dma_start3A_50] : memref<157x128xi32, #tpu.memory_space<vmem>> -> memref<1x128xi32, #tpu.memory_space<vmem>>
    %dma_start3A_52 = tpu.memref_squeeze %dma_start3A_51 : memref<1x128xi32, #tpu.memory_space<vmem>> -> memref<128xi32, #tpu.memory_space<vmem>>
    %dma_start3A_53 = arith.constant 0 : i32
    %dma_start3A_54 = arith.constant 0 : i32
    %dma_start3A_55 = tpu.memref_slice %arg2[%dma_start3A_53, %dma_start3A_54] : memref<20000x64xf32, #tpu.memory_space<hbm>> -> memref<20000x64xf32, #tpu.memory_space<hbm>>
    tpu.enqueue_indirect_dma source(%dma_start3A_55 : memref<20000x64xf32, #tpu.memory_space<hbm>>) target(%dma_start3A_49 : memref<128x64xf32, #tpu.memory_space<vmem>>) offsets(%dma_start3A_52 : memref<128xi32, #tpu.memory_space<vmem>>) semaphore(%arg9 : memref<!tpu.dma_semaphore, #tpu.memory_space<semaphore_mem>>)
    %scan3A_56 = arith.constant 0 : i32
    %scan3A_57 = arith.constant 0 : i32
    %scan3A_58 = arith.constant 8 : i32
    %scan3A_59 = arith.addi %scan3A_57, %scan3A_58 : i32
    %scan3A_60 = arith.constant 1 : i32
    %scan3A_61 = scf.for %scan3A_214 = %scan3A_57 to %scan3A_59 step %scan3A_60 iter_args(%scan3A_215 = %scan3A_56) -> (i32)  : i32 {
      %mul3A_216 = arith.constant 16 : i32
      %mul3A_217 = arith.muli %scan3A_214, %mul3A_216 : i32
      %get3A = arith.constant 3 : i32
      %get3A_218 = arith.index_cast %get3A : i32 to index
      %get3A_219 = arith.index_cast %mul3A_217 : i32 to index
      %get3A_220 = tpu.vector_load %arg5[%get3A_218, %get3A_219] {strides = array<i32>} : memref<157x128xi32, #tpu.memory_space<vmem>>, vector<1x16xi32>,
      %get3A_221 = vector.shape_cast %get3A_220 : vector<1x16xi32> to vector<16xi32>
      %mul3A_222 = arith.constant 2 : i32
      %mul3A_223 = vector.broadcast %mul3A_222 : i32 to vector<16xi32>
      %mul3A_224 = arith.muli %mul3A_223, %get3A_221 : vector<16xi32>
      %add3A_225 = vector.broadcast %arg0 : i32 to vector<16xi32>
      %add3A_226 = arith.addi %mul3A_224, %add3A_225 : vector<16xi32>
      %swap3A = arith.constant 3 : i32
      %swap3A_227 = arith.index_cast %swap3A : i32 to index
      %swap3A_228 = arith.index_cast %mul3A_217 : i32 to index
      %swap3A_229 = tpu.vector_load %arg5[%swap3A_227, %swap3A_228] {strides = array<i32>} : memref<157x128xi32, #tpu.memory_space<vmem>>, vector<1x16xi32>,
      %swap3A_230 = vector.shape_cast %swap3A_229 : vector<1x16xi32> to vector<16xi32>
      %swap3A_231 = vector.shape_cast %add3A_226 : vector<16xi32> to vector<1x16xi32>
      tpu.vector_store %arg5[%swap3A_227, %swap3A_228], %swap3A_231 {strides = array<i32>} : memref<157x128xi32, #tpu.memory_space<vmem>>, vector<1x16xi32>,
      %scan3A_232 = arith.constant 0 : i32
      scf.yield %scan3A_232 : i32
    }
    %scan3A_62 = arith.constant 8 : i32
    %dma_start3A_63 = arith.constant 3 : i32
    %dma_start3A_64 = arith.constant 3 : i32
    %dma_start3A_65 = arith.constant 0 : i32
    %dma_start3A_66 = arith.constant 0 : i32
    %dma_start3A_67 = tpu.memref_slice %arg7[%dma_start3A_64, %dma_start3A_65, %dma_start3A_66] : memref<6x128x64xf32, #tpu.memory_space<vmem>> -> memref<1x128x64xf32, #tpu.memory_space<vmem>>
    %dma_start3A_68 = tpu.memref_squeeze %dma_start3A_67 : memref<1x128x64xf32, #tpu.memory_space<vmem>> -> memref<128x64xf32, #tpu.memory_space<vmem>>
    %dma_start3A_69 = arith.constant 0 : i32
    %dma_start3A_70 = tpu.memref_slice %arg5[%dma_start3A_63, %dma_start3A_69] : memref<157x128xi32, #tpu.memory_space<vmem>> -> memref<1x128xi32, #tpu.memory_space<vmem>>
    %dma_start3A_71 = tpu.memref_squeeze %dma_start3A_70 : memref<1x128xi32, #tpu.memory_space<vmem>> -> memref<128xi32, #tpu.memory_space<vmem>>
    %dma_start3A_72 = arith.constant 0 : i32
    %dma_start3A_73 = arith.constant 0 : i32
    %dma_start3A_74 = tpu.memref_slice %arg2[%dma_start3A_72, %dma_start3A_73] : memref<20000x64xf32, #tpu.memory_space<hbm>> -> memref<20000x64xf32, #tpu.memory_space<hbm>>
    tpu.enqueue_indirect_dma source(%dma_start3A_74 : memref<20000x64xf32, #tpu.memory_space<hbm>>) target(%dma_start3A_68 : memref<128x64xf32, #tpu.memory_space<vmem>>) offsets(%dma_start3A_71 : memref<128xi32, #tpu.memory_space<vmem>>) semaphore(%arg9 : memref<!tpu.dma_semaphore, #tpu.memory_space<semaphore_mem>>)
    %scan3A_75 = arith.constant 0 : i32
    %scan3A_76 = arith.constant 0 : i32
    %scan3A_77 = arith.constant 8 : i32
    %scan3A_78 = arith.addi %scan3A_76, %scan3A_77 : i32
    %scan3A_79 = arith.constant 1 : i32
    %scan3A_80 = scf.for %scan3A_214 = %scan3A_76 to %scan3A_78 step %scan3A_79 iter_args(%scan3A_215 = %scan3A_75) -> (i32)  : i32 {
      %mul3A_216 = arith.constant 16 : i32
      %mul3A_217 = arith.muli %scan3A_214, %mul3A_216 : i32
      %get3A = arith.constant 4 : i32
      %get3A_218 = arith.index_cast %get3A : i32 to index
      %get3A_219 = arith.index_cast %mul3A_217 : i32 to index
      %get3A_220 = tpu.vector_load %arg5[%get3A_218, %get3A_219] {strides = array<i32>} : memref<157x128xi32, #tpu.memory_space<vmem>>, vector<1x16xi32>,
      %get3A_221 = vector.shape_cast %get3A_220 : vector<1x16xi32> to vector<16xi32>
      %mul3A_222 = arith.constant 2 : i32
      %mul3A_223 = vector.broadcast %mul3A_222 : i32 to vector<16xi32>
      %mul3A_224 = arith.muli %mul3A_223, %get3A_221 : vector<16xi32>
      %add3A_225 = vector.broadcast %arg0 : i32 to vector<16xi32>
      %add3A_226 = arith.addi %mul3A_224, %add3A_225 : vector<16xi32>
      %swap3A = arith.constant 4 : i32
      %swap3A_227 = arith.index_cast %swap3A : i32 to index
      %swap3A_228 = arith.index_cast %mul3A_217 : i32 to index
      %swap3A_229 = tpu.vector_load %arg5[%swap3A_227, %swap3A_228] {strides = array<i32>} : memref<157x128xi32, #tpu.memory_space<vmem>>, vector<1x16xi32>,
      %swap3A_230 = vector.shape_cast %swap3A_229 : vector<1x16xi32> to vector<16xi32>
      %swap3A_231 = vector.shape_cast %add3A_226 : vector<16xi32> to vector<1x16xi32>
      tpu.vector_store %arg5[%swap3A_227, %swap3A_228], %swap3A_231 {strides = array<i32>} : memref<157x128xi32, #tpu.memory_space<vmem>>, vector<1x16xi32>,
      %scan3A_232 = arith.constant 0 : i32
      scf.yield %scan3A_232 : i32
    }
    %scan3A_81 = arith.constant 8 : i32
    %dma_start3A_82 = arith.constant 4 : i32
    %dma_start3A_83 = arith.constant 4 : i32
    %dma_start3A_84 = arith.constant 0 : i32
    %dma_start3A_85 = arith.constant 0 : i32
    %dma_start3A_86 = tpu.memref_slice %arg7[%dma_start3A_83, %dma_start3A_84, %dma_start3A_85] : memref<6x128x64xf32, #tpu.memory_space<vmem>> -> memref<1x128x64xf32, #tpu.memory_space<vmem>>
    %dma_start3A_87 = tpu.memref_squeeze %dma_start3A_86 : memref<1x128x64xf32, #tpu.memory_space<vmem>> -> memref<128x64xf32, #tpu.memory_space<vmem>>
    %dma_start3A_88 = arith.constant 0 : i32
    %dma_start3A_89 = tpu.memref_slice %arg5[%dma_start3A_82, %dma_start3A_88] : memref<157x128xi32, #tpu.memory_space<vmem>> -> memref<1x128xi32, #tpu.memory_space<vmem>>
    %dma_start3A_90 = tpu.memref_squeeze %dma_start3A_89 : memref<1x128xi32, #tpu.memory_space<vmem>> -> memref<128xi32, #tpu.memory_space<vmem>>
    %dma_start3A_91 = arith.constant 0 : i32
    %dma_start3A_92 = arith.constant 0 : i32
    %dma_start3A_93 = tpu.memref_slice %arg2[%dma_start3A_91, %dma_start3A_92] : memref<20000x64xf32, #tpu.memory_space<hbm>> -> memref<20000x64xf32, #tpu.memory_space<hbm>>
    tpu.enqueue_indirect_dma source(%dma_start3A_93 : memref<20000x64xf32, #tpu.memory_space<hbm>>) target(%dma_start3A_87 : memref<128x64xf32, #tpu.memory_space<vmem>>) offsets(%dma_start3A_90 : memref<128xi32, #tpu.memory_space<vmem>>) semaphore(%arg9 : memref<!tpu.dma_semaphore, #tpu.memory_space<semaphore_mem>>)
    %scan3A_94 = arith.constant 0 : i32
    %scan3A_95 = arith.constant 0 : i32
    %scan3A_96 = arith.constant 480 : i32
    %scan3A_97 = arith.addi %scan3A_95, %scan3A_96 : i32
    %scan3A_98 = arith.constant 1 : i32
    %scan3A_99 = scf.for %scan3A_214 = %scan3A_95 to %scan3A_97 step %scan3A_98 iter_args(%scan3A_215 = %scan3A_94) -> (i32)  : i32 {
      %jit3A = arith.constant 4 : i32
      %div3A = arith.divsi %scan3A_214, %jit3A : i32
      %sign3A = arith.constant 0 : i32
      %sign3A_216 = arith.cmpi sgt, %scan3A_214, %sign3A : i32
      %sign3A_217 = arith.extui %sign3A_216 : i1 to i32
      %sign3A_218 = arith.constant 0 : i32
      %sign3A_219 = arith.cmpi slt, %scan3A_214, %sign3A_218 : i32
      %sign3A_220 = arith.extui %sign3A_219 : i1 to i32
      %sign3A_221 = arith.subi %sign3A_217, %sign3A_220 : i32
      %sign3A_222 = arith.constant 0 : i32
      %sign3A_223 = arith.cmpi sgt, %jit3A, %sign3A_222 : i32
      %sign3A_224 = arith.extui %sign3A_223 : i1 to i32
      %sign3A_225 = arith.constant 0 : i32
      %sign3A_226 = arith.cmpi slt, %jit3A, %sign3A_225 : i32
      %sign3A_227 = arith.extui %sign3A_226 : i1 to i32
      %sign3A_228 = arith.subi %sign3A_224, %sign3A_227 : i32
      %ne3A = arith.cmpi ne, %sign3A_221, %sign3A_228 : i32
      %rem3A = arith.remsi %scan3A_214, %jit3A : i32
      %ne3A_229 = arith.constant 0 : i32
      %ne3A_230 = arith.cmpi ne, %rem3A, %ne3A_229 : i32
      %and3A = arith.andi %ne3A, %ne3A_230 : i1
      %sub3A = arith.constant 1 : i32
      %sub3A_231 = arith.subi %div3A, %sub3A : i32
      %select_n3A = arith.select %and3A, %sub3A_231, %div3A : i32
      %jit3A_232 = arith.constant 4 : i32
      %eq3A = arith.constant 0 : i32
      %eq3A_233 = arith.cmpi eq, %jit3A_232, %eq3A : i32
      %jit3A_234 = arith.constant 1 : i32
      %select_n3A_235 = arith.select %eq3A_233, %jit3A_234, %jit3A_232 : i32
      %rem3A_236 = arith.remsi %scan3A_214, %select_n3A_235 : i32
      %ne3A_237 = arith.constant 0 : i32
      %ne3A_238 = arith.cmpi ne, %rem3A_236, %ne3A_237 : i32
      %lt3A = arith.constant 0 : i32
      %lt3A_239 = arith.cmpi slt, %rem3A_236, %lt3A : i32
      %lt3A_240 = arith.constant 0 : i32
      %lt3A_241 = arith.cmpi slt, %select_n3A_235, %lt3A_240 : i32
      %ne3A_242 = arith.xori %lt3A_239, %lt3A_241 : i1
      %and3A_243 = arith.andi %ne3A_242, %ne3A_238 : i1
      %add3A_244 = arith.addi %rem3A_236, %select_n3A_235 : i32
      %select_n3A_245 = arith.select %and3A_243, %add3A_244, %rem3A_236 : i32
      %broadcast_in_dim3A = arith.constant 0.000000e+00 : f32
      %broadcast_in_dim3A_246 = vector.broadcast %broadcast_in_dim3A : f32 to vector<16xf32>
      %mul3A_247 = arith.constant 16 : i32
      %mul3A_248 = arith.muli %select_n3A_245, %mul3A_247 : i32
      %swap3A = arith.constant 5 : i32
      %swap3A_249 = arith.index_cast %swap3A : i32 to index
      %swap3A_250 = arith.index_cast %select_n3A : i32 to index
      %swap3A_251 = arith.index_cast %mul3A_248 : i32 to index
      %swap3A_252 = tpu.vector_load %arg7[%swap3A_249, %swap3A_250, %swap3A_251] {strides = array<i32>} : memref<6x128x64xf32, #tpu.memory_space<vmem>>, vector<1x1x16xf32>,
      %swap3A_253 = vector.shape_cast %swap3A_252 : vector<1x1x16xf32> to vector<16xf32>
      %swap3A_254 = vector.shape_cast %broadcast_in_dim3A_246 : vector<16xf32> to vector<1x1x16xf32>
      tpu.vector_store %arg7[%swap3A_249, %swap3A_250, %swap3A_251], %swap3A_254 {strides = array<i32>} : memref<6x128x64xf32, #tpu.memory_space<vmem>>, vector<1x1x16xf32>,
      %scan3A_255 = arith.constant 0 : i32
      scf.yield %scan3A_255 : i32
    }
    %scan3A_100 = arith.constant 480 : i32
    %mul3A = arith.constant 640 : i32
    %mul3A_101 = arith.muli %arg1, %mul3A : i32
    %add3A = arith.constant 0 : i32
    %add3A_102 = arith.addi %mul3A_101, %add3A : i32
    %run_scoped3A_103 = arith.constant 5 : i32
    "tpu.region"() ({
      %run_scoped3A_214 = tpu.sem_alloc : memref<!tpu.dma_semaphore, #tpu.memory_space<semaphore_mem>>
      %dma_start3A_215 = arith.constant 0 : i32
      %dma_start3A_216 = arith.constant 0 : i32
      %dma_start3A_217 = tpu.memref_slice %arg7[%run_scoped3A_103, %dma_start3A_215, %dma_start3A_216] : memref<6x128x64xf32, #tpu.memory_space<vmem>> -> memref<1x120x64xf32, #tpu.memory_space<vmem>>
      %dma_start3A_218 = tpu.memref_squeeze %dma_start3A_217 : memref<1x120x64xf32, #tpu.memory_space<vmem>> -> memref<120x64xf32, #tpu.memory_space<vmem>>
      %dma_start3A_219 = arith.constant 0 : i32
      %dma_start3A_220 = tpu.memref_slice %arg8[%add3A_102, %dma_start3A_219] : memref<10240x64xf32, #tpu.memory_space<vmem_shared>> -> memref<120x64xf32, #tpu.memory_space<vmem_shared>>
      %dma_start3A_221 = arith.constant 0 : i32
      %dma_start3A_222 = tpu.memref_slice %arg8[%add3A_102, %dma_start3A_221] : memref<10240x64xf32, #tpu.memory_space<vmem_shared>> -> memref<120x64xf32, #tpu.memory_space<vmem_shared>>
      %dma_start3A_223 = arith.constant 0 : i32
      %dma_start3A_224 = arith.constant 0 : i32
      %dma_start3A_225 = tpu.memref_slice %arg7[%run_scoped3A_103, %dma_start3A_223, %dma_start3A_224] : memref<6x128x64xf32, #tpu.memory_space<vmem>> -> memref<1x120x64xf32, #tpu.memory_space<vmem>>
      %dma_start3A_226 = tpu.memref_squeeze %dma_start3A_225 : memref<1x120x64xf32, #tpu.memory_space<vmem>> -> memref<120x64xf32, #tpu.memory_space<vmem>>
      tpu.enqueue_dma source(%dma_start3A_226 : memref<120x64xf32, #tpu.memory_space<vmem>>) target(%dma_start3A_222 : memref<120x64xf32, #tpu.memory_space<vmem_shared>>) target_semaphore(%run_scoped3A_214 : memref<!tpu.dma_semaphore, #tpu.memory_space<semaphore_mem>>)
      %dma_wait3A_227 = arith.constant 0 : i32
      %dma_wait3A_228 = arith.constant 0 : i32
      %dma_wait3A_229 = tpu.memref_slice %arg7[%run_scoped3A_103, %dma_wait3A_227, %dma_wait3A_228] : memref<6x128x64xf32, #tpu.memory_space<vmem>> -> memref<1x120x64xf32, #tpu.memory_space<vmem>>
      %dma_wait3A_230 = tpu.memref_squeeze %dma_wait3A_229 : memref<1x120x64xf32, #tpu.memory_space<vmem>> -> memref<120x64xf32, #tpu.memory_space<vmem>>
      %dma_wait3A_231 = arith.constant 0 : i32
      %dma_wait3A_232 = tpu.memref_slice %arg8[%add3A_102, %dma_wait3A_231] : memref<10240x64xf32, #tpu.memory_space<vmem_shared>> -> memref<120x64xf32, #tpu.memory_space<vmem_shared>>
      %dma_wait3A_233 = arith.constant 0 : i32
      %dma_wait3A_234 = tpu.memref_slice %arg8[%add3A_102, %dma_wait3A_233] : memref<10240x64xf32, #tpu.memory_space<vmem_shared>> -> memref<120x64xf32, #tpu.memory_space<vmem_shared>>
      %dma_wait3A_235 = arith.constant 0 : i32
      %dma_wait3A_236 = arith.constant 0 : i32
      %dma_wait3A_237 = tpu.memref_slice %arg7[%run_scoped3A_103, %dma_wait3A_235, %dma_wait3A_236] : memref<6x128x64xf32, #tpu.memory_space<vmem>> -> memref<1x120x64xf32, #tpu.memory_space<vmem>>
      %dma_wait3A_238 = tpu.memref_squeeze %dma_wait3A_237 : memref<1x120x64xf32, #tpu.memory_space<vmem>> -> memref<120x64xf32, #tpu.memory_space<vmem>>
      tpu.wait_dma2 semaphore(%run_scoped3A_214 : memref<!tpu.dma_semaphore, #tpu.memory_space<semaphore_mem>>) src(%dma_wait3A_238 : memref<120x64xf32, #tpu.memory_space<vmem>>) dst(%dma_wait3A_234 : memref<120x64xf32, #tpu.memory_space<vmem_shared>>)
      tpu.yield
    }) : () -> ()
    %mul3A_104 = arith.constant 640 : i32
    %mul3A_105 = arith.muli %arg1, %mul3A_104 : i32
    %add3A_106 = arith.constant 120 : i32
    %add3A_107 = arith.addi %mul3A_105, %add3A_106 : i32
    %run_scoped3A_108 = arith.constant 5 : i32
    "tpu.region"() ({
      %run_scoped3A_214 = tpu.sem_alloc : memref<!tpu.dma_semaphore, #tpu.memory_space<semaphore_mem>>
      %dma_start3A_215 = arith.constant 0 : i32
      %dma_start3A_216 = arith.constant 0 : i32
      %dma_start3A_217 = tpu.memref_slice %arg7[%run_scoped3A_108, %dma_start3A_215, %dma_start3A_216] : memref<6x128x64xf32, #tpu.memory_space<vmem>> -> memref<1x120x64xf32, #tpu.memory_space<vmem>>
      %dma_start3A_218 = tpu.memref_squeeze %dma_start3A_217 : memref<1x120x64xf32, #tpu.memory_space<vmem>> -> memref<120x64xf32, #tpu.memory_space<vmem>>
      %dma_start3A_219 = arith.constant 0 : i32
      %dma_start3A_220 = tpu.memref_slice %arg8[%add3A_107, %dma_start3A_219] : memref<10240x64xf32, #tpu.memory_space<vmem_shared>> -> memref<120x64xf32, #tpu.memory_space<vmem_shared>>
      %dma_start3A_221 = arith.constant 0 : i32
      %dma_start3A_222 = tpu.memref_slice %arg8[%add3A_107, %dma_start3A_221] : memref<10240x64xf32, #tpu.memory_space<vmem_shared>> -> memref<120x64xf32, #tpu.memory_space<vmem_shared>>
      %dma_start3A_223 = arith.constant 0 : i32
      %dma_start3A_224 = arith.constant 0 : i32
      %dma_start3A_225 = tpu.memref_slice %arg7[%run_scoped3A_108, %dma_start3A_223, %dma_start3A_224] : memref<6x128x64xf32, #tpu.memory_space<vmem>> -> memref<1x120x64xf32, #tpu.memory_space<vmem>>
      %dma_start3A_226 = tpu.memref_squeeze %dma_start3A_225 : memref<1x120x64xf32, #tpu.memory_space<vmem>> -> memref<120x64xf32, #tpu.memory_space<vmem>>
      tpu.enqueue_dma source(%dma_start3A_226 : memref<120x64xf32, #tpu.memory_space<vmem>>) target(%dma_start3A_222 : memref<120x64xf32, #tpu.memory_space<vmem_shared>>) target_semaphore(%run_scoped3A_214 : memref<!tpu.dma_semaphore, #tpu.memory_space<semaphore_mem>>)
      %dma_wait3A_227 = arith.constant 0 : i32
      %dma_wait3A_228 = arith.constant 0 : i32
      %dma_wait3A_229 = tpu.memref_slice %arg7[%run_scoped3A_108, %dma_wait3A_227, %dma_wait3A_228] : memref<6x128x64xf32, #tpu.memory_space<vmem>> -> memref<1x120x64xf32, #tpu.memory_space<vmem>>
      %dma_wait3A_230 = tpu.memref_squeeze %dma_wait3A_229 : memref<1x120x64xf32, #tpu.memory_space<vmem>> -> memref<120x64xf32, #tpu.memory_space<vmem>>
      %dma_wait3A_231 = arith.constant 0 : i32
      %dma_wait3A_232 = tpu.memref_slice %arg8[%add3A_107, %dma_wait3A_231] : memref<10240x64xf32, #tpu.memory_space<vmem_shared>> -> memref<120x64xf32, #tpu.memory_space<vmem_shared>>
      %dma_wait3A_233 = arith.constant 0 : i32
      %dma_wait3A_234 = tpu.memref_slice %arg8[%add3A_107, %dma_wait3A_233] : memref<10240x64xf32, #tpu.memory_space<vmem_shared>> -> memref<120x64xf32, #tpu.memory_space<vmem_shared>>
      %dma_wait3A_235 = arith.constant 0 : i32
      %dma_wait3A_236 = arith.constant 0 : i32
      %dma_wait3A_237 = tpu.memref_slice %arg7[%run_scoped3A_108, %dma_wait3A_235, %dma_wait3A_236] : memref<6x128x64xf32, #tpu.memory_space<vmem>> -> memref<1x120x64xf32, #tpu.memory_space<vmem>>
      %dma_wait3A_238 = tpu.memref_squeeze %dma_wait3A_237 : memref<1x120x64xf32, #tpu.memory_space<vmem>> -> memref<120x64xf32, #tpu.memory_space<vmem>>
      tpu.wait_dma2 semaphore(%run_scoped3A_214 : memref<!tpu.dma_semaphore, #tpu.memory_space<semaphore_mem>>) src(%dma_wait3A_238 : memref<120x64xf32, #tpu.memory_space<vmem>>) dst(%dma_wait3A_234 : memref<120x64xf32, #tpu.memory_space<vmem_shared>>)
      tpu.yield
    }) : () -> ()
    %mul3A_109 = arith.constant 640 : i32
    %mul3A_110 = arith.muli %arg1, %mul3A_109 : i32
    %add3A_111 = arith.constant 240 : i32
    %add3A_112 = arith.addi %mul3A_110, %add3A_111 : i32
    %run_scoped3A_113 = arith.constant 5 : i32
    "tpu.region"() ({
      %run_scoped3A_214 = tpu.sem_alloc : memref<!tpu.dma_semaphore, #tpu.memory_space<semaphore_mem>>
      %dma_start3A_215 = arith.constant 0 : i32
      %dma_start3A_216 = arith.constant 0 : i32
      %dma_start3A_217 = tpu.memref_slice %arg7[%run_scoped3A_113, %dma_start3A_215, %dma_start3A_216] : memref<6x128x64xf32, #tpu.memory_space<vmem>> -> memref<1x120x64xf32, #tpu.memory_space<vmem>>
      %dma_start3A_218 = tpu.memref_squeeze %dma_start3A_217 : memref<1x120x64xf32, #tpu.memory_space<vmem>> -> memref<120x64xf32, #tpu.memory_space<vmem>>
      %dma_start3A_219 = arith.constant 0 : i32
      %dma_start3A_220 = tpu.memref_slice %arg8[%add3A_112, %dma_start3A_219] : memref<10240x64xf32, #tpu.memory_space<vmem_shared>> -> memref<120x64xf32, #tpu.memory_space<vmem_shared>>
      %dma_start3A_221 = arith.constant 0 : i32
      %dma_start3A_222 = tpu.memref_slice %arg8[%add3A_112, %dma_start3A_221] : memref<10240x64xf32, #tpu.memory_space<vmem_shared>> -> memref<120x64xf32, #tpu.memory_space<vmem_shared>>
      %dma_start3A_223 = arith.constant 0 : i32
      %dma_start3A_224 = arith.constant 0 : i32
      %dma_start3A_225 = tpu.memref_slice %arg7[%run_scoped3A_113, %dma_start3A_223, %dma_start3A_224] : memref<6x128x64xf32, #tpu.memory_space<vmem>> -> memref<1x120x64xf32, #tpu.memory_space<vmem>>
      %dma_start3A_226 = tpu.memref_squeeze %dma_start3A_225 : memref<1x120x64xf32, #tpu.memory_space<vmem>> -> memref<120x64xf32, #tpu.memory_space<vmem>>
      tpu.enqueue_dma source(%dma_start3A_226 : memref<120x64xf32, #tpu.memory_space<vmem>>) target(%dma_start3A_222 : memref<120x64xf32, #tpu.memory_space<vmem_shared>>) target_semaphore(%run_scoped3A_214 : memref<!tpu.dma_semaphore, #tpu.memory_space<semaphore_mem>>)
      %dma_wait3A_227 = arith.constant 0 : i32
      %dma_wait3A_228 = arith.constant 0 : i32
      %dma_wait3A_229 = tpu.memref_slice %arg7[%run_scoped3A_113, %dma_wait3A_227, %dma_wait3A_228] : memref<6x128x64xf32, #tpu.memory_space<vmem>> -> memref<1x120x64xf32, #tpu.memory_space<vmem>>
      %dma_wait3A_230 = tpu.memref_squeeze %dma_wait3A_229 : memref<1x120x64xf32, #tpu.memory_space<vmem>> -> memref<120x64xf32, #tpu.memory_space<vmem>>
      %dma_wait3A_231 = arith.constant 0 : i32
      %dma_wait3A_232 = tpu.memref_slice %arg8[%add3A_112, %dma_wait3A_231] : memref<10240x64xf32, #tpu.memory_space<vmem_shared>> -> memref<120x64xf32, #tpu.memory_space<vmem_shared>>
      %dma_wait3A_233 = arith.constant 0 : i32
      %dma_wait3A_234 = tpu.memref_slice %arg8[%add3A_112, %dma_wait3A_233] : memref<10240x64xf32, #tpu.memory_space<vmem_shared>> -> memref<120x64xf32, #tpu.memory_space<vmem_shared>>
      %dma_wait3A_235 = arith.constant 0 : i32
      %dma_wait3A_236 = arith.constant 0 : i32
      %dma_wait3A_237 = tpu.memref_slice %arg7[%run_scoped3A_113, %dma_wait3A_235, %dma_wait3A_236] : memref<6x128x64xf32, #tpu.memory_space<vmem>> -> memref<1x120x64xf32, #tpu.memory_space<vmem>>
      %dma_wait3A_238 = tpu.memref_squeeze %dma_wait3A_237 : memref<1x120x64xf32, #tpu.memory_space<vmem>> -> memref<120x64xf32, #tpu.memory_space<vmem>>
      tpu.wait_dma2 semaphore(%run_scoped3A_214 : memref<!tpu.dma_semaphore, #tpu.memory_space<semaphore_mem>>) src(%dma_wait3A_238 : memref<120x64xf32, #tpu.memory_space<vmem>>) dst(%dma_wait3A_234 : memref<120x64xf32, #tpu.memory_space<vmem_shared>>)
      tpu.yield
    }) : () -> ()
    %mul3A_114 = arith.constant 640 : i32
    %mul3A_115 = arith.muli %arg1, %mul3A_114 : i32
    %add3A_116 = arith.constant 360 : i32
    %add3A_117 = arith.addi %mul3A_115, %add3A_116 : i32
    %run_scoped3A_118 = arith.constant 5 : i32
    "tpu.region"() ({
      %run_scoped3A_214 = tpu.sem_alloc : memref<!tpu.dma_semaphore, #tpu.memory_space<semaphore_mem>>
      %dma_start3A_215 = arith.constant 0 : i32
      %dma_start3A_216 = arith.constant 0 : i32
      %dma_start3A_217 = tpu.memref_slice %arg7[%run_scoped3A_118, %dma_start3A_215, %dma_start3A_216] : memref<6x128x64xf32, #tpu.memory_space<vmem>> -> memref<1x120x64xf32, #tpu.memory_space<vmem>>
      %dma_start3A_218 = tpu.memref_squeeze %dma_start3A_217 : memref<1x120x64xf32, #tpu.memory_space<vmem>> -> memref<120x64xf32, #tpu.memory_space<vmem>>
      %dma_start3A_219 = arith.constant 0 : i32
      %dma_start3A_220 = tpu.memref_slice %arg8[%add3A_117, %dma_start3A_219] : memref<10240x64xf32, #tpu.memory_space<vmem_shared>> -> memref<120x64xf32, #tpu.memory_space<vmem_shared>>
      %dma_start3A_221 = arith.constant 0 : i32
      %dma_start3A_222 = tpu.memref_slice %arg8[%add3A_117, %dma_start3A_221] : memref<10240x64xf32, #tpu.memory_space<vmem_shared>> -> memref<120x64xf32, #tpu.memory_space<vmem_shared>>
      %dma_start3A_223 = arith.constant 0 : i32
      %dma_start3A_224 = arith.constant 0 : i32
      %dma_start3A_225 = tpu.memref_slice %arg7[%run_scoped3A_118, %dma_start3A_223, %dma_start3A_224] : memref<6x128x64xf32, #tpu.memory_space<vmem>> -> memref<1x120x64xf32, #tpu.memory_space<vmem>>
      %dma_start3A_226 = tpu.memref_squeeze %dma_start3A_225 : memref<1x120x64xf32, #tpu.memory_space<vmem>> -> memref<120x64xf32, #tpu.memory_space<vmem>>
      tpu.enqueue_dma source(%dma_start3A_226 : memref<120x64xf32, #tpu.memory_space<vmem>>) target(%dma_start3A_222 : memref<120x64xf32, #tpu.memory_space<vmem_shared>>) target_semaphore(%run_scoped3A_214 : memref<!tpu.dma_semaphore, #tpu.memory_space<semaphore_mem>>)
      %dma_wait3A_227 = arith.constant 0 : i32
      %dma_wait3A_228 = arith.constant 0 : i32
      %dma_wait3A_229 = tpu.memref_slice %arg7[%run_scoped3A_118, %dma_wait3A_227, %dma_wait3A_228] : memref<6x128x64xf32, #tpu.memory_space<vmem>> -> memref<1x120x64xf32, #tpu.memory_space<vmem>>
      %dma_wait3A_230 = tpu.memref_squeeze %dma_wait3A_229 : memref<1x120x64xf32, #tpu.memory_space<vmem>> -> memref<120x64xf32, #tpu.memory_space<vmem>>
      %dma_wait3A_231 = arith.constant 0 : i32
      %dma_wait3A_232 = tpu.memref_slice %arg8[%add3A_117, %dma_wait3A_231] : memref<10240x64xf32, #tpu.memory_space<vmem_shared>> -> memref<120x64xf32, #tpu.memory_space<vmem_shared>>
      %dma_wait3A_233 = arith.constant 0 : i32
      %dma_wait3A_234 = tpu.memref_slice %arg8[%add3A_117, %dma_wait3A_233] : memref<10240x64xf32, #tpu.memory_space<vmem_shared>> -> memref<120x64xf32, #tpu.memory_space<vmem_shared>>
      %dma_wait3A_235 = arith.constant 0 : i32
      %dma_wait3A_236 = arith.constant 0 : i32
      %dma_wait3A_237 = tpu.memref_slice %arg7[%run_scoped3A_118, %dma_wait3A_235, %dma_wait3A_236] : memref<6x128x64xf32, #tpu.memory_space<vmem>> -> memref<1x120x64xf32, #tpu.memory_space<vmem>>
      %dma_wait3A_238 = tpu.memref_squeeze %dma_wait3A_237 : memref<1x120x64xf32, #tpu.memory_space<vmem>> -> memref<120x64xf32, #tpu.memory_space<vmem>>
      tpu.wait_dma2 semaphore(%run_scoped3A_214 : memref<!tpu.dma_semaphore, #tpu.memory_space<semaphore_mem>>) src(%dma_wait3A_238 : memref<120x64xf32, #tpu.memory_space<vmem>>) dst(%dma_wait3A_234 : memref<120x64xf32, #tpu.memory_space<vmem_shared>>)
      tpu.yield
    }) : () -> ()
    %mul3A_119 = arith.constant 640 : i32
    %mul3A_120 = arith.muli %arg1, %mul3A_119 : i32
    %add3A_121 = arith.constant 480 : i32
    %add3A_122 = arith.addi %mul3A_120, %add3A_121 : i32
    %run_scoped3A_123 = arith.constant 5 : i32
    "tpu.region"() ({
      %run_scoped3A_214 = tpu.sem_alloc : memref<!tpu.dma_semaphore, #tpu.memory_space<semaphore_mem>>
      %dma_start3A_215 = arith.constant 0 : i32
      %dma_start3A_216 = arith.constant 0 : i32
      %dma_start3A_217 = tpu.memref_slice %arg7[%run_scoped3A_123, %dma_start3A_215, %dma_start3A_216] : memref<6x128x64xf32, #tpu.memory_space<vmem>> -> memref<1x120x64xf32, #tpu.memory_space<vmem>>
      %dma_start3A_218 = tpu.memref_squeeze %dma_start3A_217 : memref<1x120x64xf32, #tpu.memory_space<vmem>> -> memref<120x64xf32, #tpu.memory_space<vmem>>
      %dma_start3A_219 = arith.constant 0 : i32
      %dma_start3A_220 = tpu.memref_slice %arg8[%add3A_122, %dma_start3A_219] : memref<10240x64xf32, #tpu.memory_space<vmem_shared>> -> memref<120x64xf32, #tpu.memory_space<vmem_shared>>
      %dma_start3A_221 = arith.constant 0 : i32
      %dma_start3A_222 = tpu.memref_slice %arg8[%add3A_122, %dma_start3A_221] : memref<10240x64xf32, #tpu.memory_space<vmem_shared>> -> memref<120x64xf32, #tpu.memory_space<vmem_shared>>
      %dma_start3A_223 = arith.constant 0 : i32
      %dma_start3A_224 = arith.constant 0 : i32
      %dma_start3A_225 = tpu.memref_slice %arg7[%run_scoped3A_123, %dma_start3A_223, %dma_start3A_224] : memref<6x128x64xf32, #tpu.memory_space<vmem>> -> memref<1x120x64xf32, #tpu.memory_space<vmem>>
      %dma_start3A_226 = tpu.memref_squeeze %dma_start3A_225 : memref<1x120x64xf32, #tpu.memory_space<vmem>> -> memref<120x64xf32, #tpu.memory_space<vmem>>
      tpu.enqueue_dma source(%dma_start3A_226 : memref<120x64xf32, #tpu.memory_space<vmem>>) target(%dma_start3A_222 : memref<120x64xf32, #tpu.memory_space<vmem_shared>>) target_semaphore(%run_scoped3A_214 : memref<!tpu.dma_semaphore, #tpu.memory_space<semaphore_mem>>)
      %dma_wait3A_227 = arith.constant 0 : i32
      %dma_wait3A_228 = arith.constant 0 : i32
      %dma_wait3A_229 = tpu.memref_slice %arg7[%run_scoped3A_123, %dma_wait3A_227, %dma_wait3A_228] : memref<6x128x64xf32, #tpu.memory_space<vmem>> -> memref<1x120x64xf32, #tpu.memory_space<vmem>>
      %dma_wait3A_230 = tpu.memref_squeeze %dma_wait3A_229 : memref<1x120x64xf32, #tpu.memory_space<vmem>> -> memref<120x64xf32, #tpu.memory_space<vmem>>
      %dma_wait3A_231 = arith.constant 0 : i32
      %dma_wait3A_232 = tpu.memref_slice %arg8[%add3A_122, %dma_wait3A_231] : memref<10240x64xf32, #tpu.memory_space<vmem_shared>> -> memref<120x64xf32, #tpu.memory_space<vmem_shared>>
      %dma_wait3A_233 = arith.constant 0 : i32
      %dma_wait3A_234 = tpu.memref_slice %arg8[%add3A_122, %dma_wait3A_233] : memref<10240x64xf32, #tpu.memory_space<vmem_shared>> -> memref<120x64xf32, #tpu.memory_space<vmem_shared>>
      %dma_wait3A_235 = arith.constant 0 : i32
      %dma_wait3A_236 = arith.constant 0 : i32
      %dma_wait3A_237 = tpu.memref_slice %arg7[%run_scoped3A_123, %dma_wait3A_235, %dma_wait3A_236] : memref<6x128x64xf32, #tpu.memory_space<vmem>> -> memref<1x120x64xf32, #tpu.memory_space<vmem>>
      %dma_wait3A_238 = tpu.memref_squeeze %dma_wait3A_237 : memref<1x120x64xf32, #tpu.memory_space<vmem>> -> memref<120x64xf32, #tpu.memory_space<vmem>>
      tpu.wait_dma2 semaphore(%run_scoped3A_214 : memref<!tpu.dma_semaphore, #tpu.memory_space<semaphore_mem>>) src(%dma_wait3A_238 : memref<120x64xf32, #tpu.memory_space<vmem>>) dst(%dma_wait3A_234 : memref<120x64xf32, #tpu.memory_space<vmem_shared>>)
      tpu.yield
    }) : () -> ()
    %mul3A_124 = arith.constant 640 : i32
    %mul3A_125 = arith.muli %arg1, %mul3A_124 : i32
    %add3A_126 = arith.constant 600 : i32
    %add3A_127 = arith.addi %mul3A_125, %add3A_126 : i32
    %run_scoped3A_128 = arith.constant 5 : i32
    "tpu.region"() ({
      %run_scoped3A_214 = tpu.sem_alloc : memref<!tpu.dma_semaphore, #tpu.memory_space<semaphore_mem>>
      %dma_start3A_215 = arith.constant 0 : i32
      %dma_start3A_216 = arith.constant 0 : i32
      %dma_start3A_217 = tpu.memref_slice %arg7[%run_scoped3A_128, %dma_start3A_215, %dma_start3A_216] : memref<6x128x64xf32, #tpu.memory_space<vmem>> -> memref<1x40x64xf32, #tpu.memory_space<vmem>>
      %dma_start3A_218 = tpu.memref_squeeze %dma_start3A_217 : memref<1x40x64xf32, #tpu.memory_space<vmem>> -> memref<40x64xf32, #tpu.memory_space<vmem>>
      %dma_start3A_219 = arith.constant 0 : i32
      %dma_start3A_220 = tpu.memref_slice %arg8[%add3A_127, %dma_start3A_219] : memref<10240x64xf32, #tpu.memory_space<vmem_shared>> -> memref<40x64xf32, #tpu.memory_space<vmem_shared>>
      %dma_start3A_221 = arith.constant 0 : i32
      %dma_start3A_222 = tpu.memref_slice %arg8[%add3A_127, %dma_start3A_221] : memref<10240x64xf32, #tpu.memory_space<vmem_shared>> -> memref<40x64xf32, #tpu.memory_space<vmem_shared>>
      %dma_start3A_223 = arith.constant 0 : i32
      %dma_start3A_224 = arith.constant 0 : i32
      %dma_start3A_225 = tpu.memref_slice %arg7[%run_scoped3A_128, %dma_start3A_223, %dma_start3A_224] : memref<6x128x64xf32, #tpu.memory_space<vmem>> -> memref<1x40x64xf32, #tpu.memory_space<vmem>>
      %dma_start3A_226 = tpu.memref_squeeze %dma_start3A_225 : memref<1x40x64xf32, #tpu.memory_space<vmem>> -> memref<40x64xf32, #tpu.memory_space<vmem>>
      tpu.enqueue_dma source(%dma_start3A_226 : memref<40x64xf32, #tpu.memory_space<vmem>>) target(%dma_start3A_222 : memref<40x64xf32, #tpu.memory_space<vmem_shared>>) target_semaphore(%run_scoped3A_214 : memref<!tpu.dma_semaphore, #tpu.memory_space<semaphore_mem>>)
      %dma_wait3A_227 = arith.constant 0 : i32
      %dma_wait3A_228 = arith.constant 0 : i32
      %dma_wait3A_229 = tpu.memref_slice %arg7[%run_scoped3A_128, %dma_wait3A_227, %dma_wait3A_228] : memref<6x128x64xf32, #tpu.memory_space<vmem>> -> memref<1x40x64xf32, #tpu.memory_space<vmem>>
      %dma_wait3A_230 = tpu.memref_squeeze %dma_wait3A_229 : memref<1x40x64xf32, #tpu.memory_space<vmem>> -> memref<40x64xf32, #tpu.memory_space<vmem>>
      %dma_wait3A_231 = arith.constant 0 : i32
      %dma_wait3A_232 = tpu.memref_slice %arg8[%add3A_127, %dma_wait3A_231] : memref<10240x64xf32, #tpu.memory_space<vmem_shared>> -> memref<40x64xf32, #tpu.memory_space<vmem_shared>>
      %dma_wait3A_233 = arith.constant 0 : i32
      %dma_wait3A_234 = tpu.memref_slice %arg8[%add3A_127, %dma_wait3A_233] : memref<10240x64xf32, #tpu.memory_space<vmem_shared>> -> memref<40x64xf32, #tpu.memory_space<vmem_shared>>
      %dma_wait3A_235 = arith.constant 0 : i32
      %dma_wait3A_236 = arith.constant 0 : i32
      %dma_wait3A_237 = tpu.memref_slice %arg7[%run_scoped3A_128, %dma_wait3A_235, %dma_wait3A_236] : memref<6x128x64xf32, #tpu.memory_space<vmem>> -> memref<1x40x64xf32, #tpu.memory_space<vmem>>
      %dma_wait3A_238 = tpu.memref_squeeze %dma_wait3A_237 : memref<1x40x64xf32, #tpu.memory_space<vmem>> -> memref<40x64xf32, #tpu.memory_space<vmem>>
      tpu.wait_dma2 semaphore(%run_scoped3A_214 : memref<!tpu.dma_semaphore, #tpu.memory_space<semaphore_mem>>) src(%dma_wait3A_238 : memref<40x64xf32, #tpu.memory_space<vmem>>) dst(%dma_wait3A_234 : memref<40x64xf32, #tpu.memory_space<vmem_shared>>)
      tpu.yield
    }) : () -> ()
    %barrier3A = arith.constant 0 : index
    tpu.barrier barrier_id(%barrier3A)
    %scan3A_129 = arith.constant 0 : i32
    %scan3A_130 = arith.constant 0 : i32
    %scan3A_131 = arith.constant 157 : i32
    %scan3A_132 = arith.addi %scan3A_130, %scan3A_131 : i32
    %scan3A_133 = arith.constant 1 : i32
    %scan3A_134 = scf.for %scan3A_214 = %scan3A_130 to %scan3A_132 step %scan3A_133 iter_args(%scan3A_215 = %scan3A_129) -> (i32)  : i32 {
      %rem3A = arith.constant 6 : i32
      %rem3A_216 = arith.remsi %scan3A_214, %rem3A : i32
      %dma_wait3A_217 = arith.constant 0 : i32
      %dma_wait3A_218 = arith.constant 0 : i32
      %dma_wait3A_219 = tpu.memref_slice %arg7[%rem3A_216, %dma_wait3A_217, %dma_wait3A_218] : memref<6x128x64xf32, #tpu.memory_space<vmem>> -> memref<1x128x64xf32, #tpu.memory_space<vmem>>
      %dma_wait3A_220 = tpu.memref_squeeze %dma_wait3A_219 : memref<1x128x64xf32, #tpu.memory_space<vmem>> -> memref<128x64xf32, #tpu.memory_space<vmem>>
      %dma_wait3A_221 = arith.constant 0 : i32
      %dma_wait3A_222 = tpu.memref_slice %arg5[%scan3A_214, %dma_wait3A_221] : memref<157x128xi32, #tpu.memory_space<vmem>> -> memref<1x128xi32, #tpu.memory_space<vmem>>
      %dma_wait3A_223 = tpu.memref_squeeze %dma_wait3A_222 : memref<1x128xi32, #tpu.memory_space<vmem>> -> memref<128xi32, #tpu.memory_space<vmem>>
      %dma_wait3A_224 = arith.constant 0 : i32
      %dma_wait3A_225 = arith.constant 0 : i32
      %dma_wait3A_226 = tpu.memref_slice %arg2[%dma_wait3A_224, %dma_wait3A_225] : memref<20000x64xf32, #tpu.memory_space<hbm>> -> memref<20000x64xf32, #tpu.memory_space<hbm>>
      tpu.wait_indirect_dma semaphore(%arg9 : memref<!tpu.dma_semaphore, #tpu.memory_space<semaphore_mem>>) src(%dma_wait3A_226 : memref<20000x64xf32, #tpu.memory_space<hbm>>) dst(%dma_wait3A_220 : memref<128x64xf32, #tpu.memory_space<vmem>>)
      %dma_start3A_227 = arith.constant 0 : i32
      %dma_start3A_228 = arith.constant 0 : i32
      %dma_start3A_229 = tpu.memref_slice %arg7[%rem3A_216, %dma_start3A_227, %dma_start3A_228] : memref<6x128x64xf32, #tpu.memory_space<vmem>> -> memref<1x128x64xf32, #tpu.memory_space<vmem>>
      %dma_start3A_230 = tpu.memref_squeeze %dma_start3A_229 : memref<1x128x64xf32, #tpu.memory_space<vmem>> -> memref<128x64xf32, #tpu.memory_space<vmem>>
      %dma_start3A_231 = arith.constant 0 : i32
      %dma_start3A_232 = tpu.memref_slice %arg6[%scan3A_214, %dma_start3A_231] : memref<157x128xi32, #tpu.memory_space<vmem>> -> memref<1x128xi32, #tpu.memory_space<vmem>>
      %dma_start3A_233 = tpu.memref_squeeze %dma_start3A_232 : memref<1x128xi32, #tpu.memory_space<vmem>> -> memref<128xi32, #tpu.memory_space<vmem>>
      %dma_start3A_234 = arith.constant 0 : i32
      %dma_start3A_235 = arith.constant 0 : i32
      %dma_start3A_236 = tpu.memref_slice %arg8[%dma_start3A_234, %dma_start3A_235] : memref<10240x64xf32, #tpu.memory_space<vmem_shared>> -> memref<10240x64xf32, #tpu.memory_space<vmem_shared>>
      tpu.enqueue_indirect_dma source(%dma_start3A_230 : memref<128x64xf32, #tpu.memory_space<vmem>>) target(%dma_start3A_236 : memref<10240x64xf32, #tpu.memory_space<vmem_shared>>) offsets(%dma_start3A_233 : memref<128xi32, #tpu.memory_space<vmem>>) semaphore(%arg10 : memref<!tpu.dma_semaphore, #tpu.memory_space<semaphore_mem>>) {add = true}
      %add3A_237 = arith.constant 6 : i32
      %add3A_238 = arith.addi %scan3A_214, %add3A_237 : i32
      %sub3A = arith.constant 1 : i32
      %sub3A_239 = arith.subi %add3A_238, %sub3A : i32
      %rem3A_240 = arith.constant 6 : i32
      %rem3A_241 = arith.remsi %sub3A_239, %rem3A_240 : i32
      %lt3A = arith.constant 157 : i32
      %lt3A_242 = arith.cmpi slt, %sub3A_239, %lt3A : i32
      %convert_element_type3A = arith.extui %lt3A_242 : i1 to i32
      %cond3A = arith.constant 0 : i32
      %cond3A_243 = arith.cmpi ne, %convert_element_type3A, %cond3A : i32
      scf.if %cond3A_243 {
        %ge3A = arith.constant 1 : i32
        %ge3A_245 = arith.cmpi sge, %scan3A_214, %ge3A : i32
        %convert_element_type3A_246 = arith.extui %ge3A_245 : i1 to i32
        %cond3A_247 = arith.constant 0 : i32
        %cond3A_248 = arith.cmpi ne, %convert_element_type3A_246, %cond3A_247 : i32
        scf.if %cond3A_248 {
          %dma_wait3A_266 = arith.constant 0 : i32
          %dma_wait3A_267 = arith.constant 0 : i32
          %dma_wait3A_268 = tpu.memref_slice %arg7[%rem3A_241, %dma_wait3A_266, %dma_wait3A_267] : memref<6x128x64xf32, #tpu.memory_space<vmem>> -> memref<1x128x64xf32, #tpu.memory_space<vmem>>
          %dma_wait3A_269 = tpu.memref_squeeze %dma_wait3A_268 : memref<1x128x64xf32, #tpu.memory_space<vmem>> -> memref<128x64xf32, #tpu.memory_space<vmem>>
          %dma_wait3A_270 = arith.constant 0 : i32
          %dma_wait3A_271 = tpu.memref_slice %arg6[%scan3A_214, %dma_wait3A_270] : memref<157x128xi32, #tpu.memory_space<vmem>> -> memref<1x128xi32, #tpu.memory_space<vmem>>
          %dma_wait3A_272 = tpu.memref_squeeze %dma_wait3A_271 : memref<1x128xi32, #tpu.memory_space<vmem>> -> memref<128xi32, #tpu.memory_space<vmem>>
          %dma_wait3A_273 = arith.constant 0 : i32
          %dma_wait3A_274 = arith.constant 0 : i32
          %dma_wait3A_275 = tpu.memref_slice %arg8[%dma_wait3A_273, %dma_wait3A_274] : memref<10240x64xf32, #tpu.memory_space<vmem_shared>> -> memref<10240x64xf32, #tpu.memory_space<vmem_shared>>
          tpu.wait_indirect_dma semaphore(%arg10 : memref<!tpu.dma_semaphore, #tpu.memory_space<semaphore_mem>>) src(%dma_wait3A_269 : memref<128x64xf32, #tpu.memory_space<vmem>>) dst(%dma_wait3A_275 : memref<10240x64xf32, #tpu.memory_space<vmem_shared>>)
        } else {
        }
        %scan3A_249 = arith.constant 0 : i32
        %scan3A_250 = arith.constant 0 : i32
        %scan3A_251 = arith.constant 8 : i32
        %scan3A_252 = arith.addi %scan3A_250, %scan3A_251 : i32
        %scan3A_253 = arith.constant 1 : i32
        %scan3A_254 = scf.for %scan3A_266 = %scan3A_250 to %scan3A_252 step %scan3A_253 iter_args(%scan3A_267 = %scan3A_249) -> (i32)  : i32 {
          %mul3A_268 = arith.constant 16 : i32
          %mul3A_269 = arith.muli %scan3A_266, %mul3A_268 : i32
          %get3A = arith.index_cast %sub3A_239 : i32 to index
          %get3A_270 = arith.index_cast %mul3A_269 : i32 to index
          %get3A_271 = tpu.vector_load %arg5[%get3A, %get3A_270] {strides = array<i32>} : memref<157x128xi32, #tpu.memory_space<vmem>>, vector<1x16xi32>,
          %get3A_272 = vector.shape_cast %get3A_271 : vector<1x16xi32> to vector<16xi32>
          %mul3A_273 = arith.constant 2 : i32
          %mul3A_274 = vector.broadcast %mul3A_273 : i32 to vector<16xi32>
          %mul3A_275 = arith.muli %mul3A_274, %get3A_272 : vector<16xi32>
          %add3A_276 = vector.broadcast %arg0 : i32 to vector<16xi32>
          %add3A_277 = arith.addi %mul3A_275, %add3A_276 : vector<16xi32>
          %swap3A = arith.index_cast %sub3A_239 : i32 to index
          %swap3A_278 = arith.index_cast %mul3A_269 : i32 to index
          %swap3A_279 = tpu.vector_load %arg5[%swap3A, %swap3A_278] {strides = array<i32>} : memref<157x128xi32, #tpu.memory_space<vmem>>, vector<1x16xi32>,
          %swap3A_280 = vector.shape_cast %swap3A_279 : vector<1x16xi32> to vector<16xi32>
          %swap3A_281 = vector.shape_cast %add3A_277 : vector<16xi32> to vector<1x16xi32>
          tpu.vector_store %arg5[%swap3A, %swap3A_278], %swap3A_281 {strides = array<i32>} : memref<157x128xi32, #tpu.memory_space<vmem>>, vector<1x16xi32>,
          %scan3A_282 = arith.constant 0 : i32
          scf.yield %scan3A_282 : i32
        }
        %scan3A_255 = arith.constant 8 : i32
        %dma_start3A_256 = arith.constant 0 : i32
        %dma_start3A_257 = arith.constant 0 : i32
        %dma_start3A_258 = tpu.memref_slice %arg7[%rem3A_241, %dma_start3A_256, %dma_start3A_257] : memref<6x128x64xf32, #tpu.memory_space<vmem>> -> memref<1x128x64xf32, #tpu.memory_space<vmem>>
        %dma_start3A_259 = tpu.memref_squeeze %dma_start3A_258 : memref<1x128x64xf32, #tpu.memory_space<vmem>> -> memref<128x64xf32, #tpu.memory_space<vmem>>
        %dma_start3A_260 = arith.constant 0 : i32
        %dma_start3A_261 = tpu.memref_slice %arg5[%sub3A_239, %dma_start3A_260] : memref<157x128xi32, #tpu.memory_space<vmem>> -> memref<1x128xi32, #tpu.memory_space<vmem>>
        %dma_start3A_262 = tpu.memref_squeeze %dma_start3A_261 : memref<1x128xi32, #tpu.memory_space<vmem>> -> memref<128xi32, #tpu.memory_space<vmem>>
        %dma_start3A_263 = arith.constant 0 : i32
        %dma_start3A_264 = arith.constant 0 : i32
        %dma_start3A_265 = tpu.memref_slice %arg2[%dma_start3A_263, %dma_start3A_264] : memref<20000x64xf32, #tpu.memory_space<hbm>> -> memref<20000x64xf32, #tpu.memory_space<hbm>>
        tpu.enqueue_indirect_dma source(%dma_start3A_265 : memref<20000x64xf32, #tpu.memory_space<hbm>>) target(%dma_start3A_259 : memref<128x64xf32, #tpu.memory_space<vmem>>) offsets(%dma_start3A_262 : memref<128xi32, #tpu.memory_space<vmem>>) semaphore(%arg9 : memref<!tpu.dma_semaphore, #tpu.memory_space<semaphore_mem>>)
      } else {
      }
      %scan3A_244 = arith.constant 0 : i32
      scf.yield %scan3A_244 : i32
    }
    %scan3A_135 = arith.constant 157 : i32
    %dma_wait3A = arith.constant 0 : i32
    %dma_wait3A_136 = arith.constant 0 : i32
    %dma_wait3A_137 = arith.constant 0 : i32
    %dma_wait3A_138 = arith.constant 0 : i32
    %dma_wait3A_139 = tpu.memref_slice %arg7[%dma_wait3A, %dma_wait3A_137, %dma_wait3A_138] : memref<6x128x64xf32, #tpu.memory_space<vmem>> -> memref<1x128x64xf32, #tpu.memory_space<vmem>>
    %dma_wait3A_140 = tpu.memref_squeeze %dma_wait3A_139 : memref<1x128x64xf32, #tpu.memory_space<vmem>> -> memref<128x64xf32, #tpu.memory_space<vmem>>
    %dma_wait3A_141 = arith.constant 0 : i32
    %dma_wait3A_142 = tpu.memref_slice %arg6[%dma_wait3A_136, %dma_wait3A_141] : memref<157x128xi32, #tpu.memory_space<vmem>> -> memref<1x128xi32, #tpu.memory_space<vmem>>
    %dma_wait3A_143 = tpu.memref_squeeze %dma_wait3A_142 : memref<1x128xi32, #tpu.memory_space<vmem>> -> memref<128xi32, #tpu.memory_space<vmem>>
    %dma_wait3A_144 = arith.constant 0 : i32
    %dma_wait3A_145 = arith.constant 0 : i32
    %dma_wait3A_146 = tpu.memref_slice %arg8[%dma_wait3A_144, %dma_wait3A_145] : memref<10240x64xf32, #tpu.memory_space<vmem_shared>> -> memref<10240x64xf32, #tpu.memory_space<vmem_shared>>
    tpu.wait_indirect_dma semaphore(%arg10 : memref<!tpu.dma_semaphore, #tpu.memory_space<semaphore_mem>>) src(%dma_wait3A_140 : memref<128x64xf32, #tpu.memory_space<vmem>>) dst(%dma_wait3A_146 : memref<10240x64xf32, #tpu.memory_space<vmem_shared>>)
    %dma_wait3A_147 = arith.constant 1 : i32
    %dma_wait3A_148 = arith.constant 0 : i32
    %dma_wait3A_149 = arith.constant 0 : i32
    %dma_wait3A_150 = arith.constant 0 : i32
    %dma_wait3A_151 = tpu.memref_slice %arg7[%dma_wait3A_147, %dma_wait3A_149, %dma_wait3A_150] : memref<6x128x64xf32, #tpu.memory_space<vmem>> -> memref<1x128x64xf32, #tpu.memory_space<vmem>>
    %dma_wait3A_152 = tpu.memref_squeeze %dma_wait3A_151 : memref<1x128x64xf32, #tpu.memory_space<vmem>> -> memref<128x64xf32, #tpu.memory_space<vmem>>
    %dma_wait3A_153 = arith.constant 0 : i32
    %dma_wait3A_154 = tpu.memref_slice %arg6[%dma_wait3A_148, %dma_wait3A_153] : memref<157x128xi32, #tpu.memory_space<vmem>> -> memref<1x128xi32, #tpu.memory_space<vmem>>
    %dma_wait3A_155 = tpu.memref_squeeze %dma_wait3A_154 : memref<1x128xi32, #tpu.memory_space<vmem>> -> memref<128xi32, #tpu.memory_space<vmem>>
    %dma_wait3A_156 = arith.constant 0 : i32
    %dma_wait3A_157 = arith.constant 0 : i32
    %dma_wait3A_158 = tpu.memref_slice %arg8[%dma_wait3A_156, %dma_wait3A_157] : memref<10240x64xf32, #tpu.memory_space<vmem_shared>> -> memref<10240x64xf32, #tpu.memory_space<vmem_shared>>
    tpu.wait_indirect_dma semaphore(%arg10 : memref<!tpu.dma_semaphore, #tpu.memory_space<semaphore_mem>>) src(%dma_wait3A_152 : memref<128x64xf32, #tpu.memory_space<vmem>>) dst(%dma_wait3A_158 : memref<10240x64xf32, #tpu.memory_space<vmem_shared>>)
    %dma_wait3A_159 = arith.constant 2 : i32
    %dma_wait3A_160 = arith.constant 0 : i32
    %dma_wait3A_161 = arith.constant 0 : i32
    %dma_wait3A_162 = arith.constant 0 : i32
    %dma_wait3A_163 = tpu.memref_slice %arg7[%dma_wait3A_159, %dma_wait3A_161, %dma_wait3A_162] : memref<6x128x64xf32, #tpu.memory_space<vmem>> -> memref<1x128x64xf32, #tpu.memory_space<vmem>>
    %dma_wait3A_164 = tpu.memref_squeeze %dma_wait3A_163 : memref<1x128x64xf32, #tpu.memory_space<vmem>> -> memref<128x64xf32, #tpu.memory_space<vmem>>
    %dma_wait3A_165 = arith.constant 0 : i32
    %dma_wait3A_166 = tpu.memref_slice %arg6[%dma_wait3A_160, %dma_wait3A_165] : memref<157x128xi32, #tpu.memory_space<vmem>> -> memref<1x128xi32, #tpu.memory_space<vmem>>
    %dma_wait3A_167 = tpu.memref_squeeze %dma_wait3A_166 : memref<1x128xi32, #tpu.memory_space<vmem>> -> memref<128xi32, #tpu.memory_space<vmem>>
    %dma_wait3A_168 = arith.constant 0 : i32
    %dma_wait3A_169 = arith.constant 0 : i32
    %dma_wait3A_170 = tpu.memref_slice %arg8[%dma_wait3A_168, %dma_wait3A_169] : memref<10240x64xf32, #tpu.memory_space<vmem_shared>> -> memref<10240x64xf32, #tpu.memory_space<vmem_shared>>
    tpu.wait_indirect_dma semaphore(%arg10 : memref<!tpu.dma_semaphore, #tpu.memory_space<semaphore_mem>>) src(%dma_wait3A_164 : memref<128x64xf32, #tpu.memory_space<vmem>>) dst(%dma_wait3A_170 : memref<10240x64xf32, #tpu.memory_space<vmem_shared>>)
    %dma_wait3A_171 = arith.constant 3 : i32
    %dma_wait3A_172 = arith.constant 0 : i32
    %dma_wait3A_173 = arith.constant 0 : i32
    %dma_wait3A_174 = arith.constant 0 : i32
    %dma_wait3A_175 = tpu.memref_slice %arg7[%dma_wait3A_171, %dma_wait3A_173, %dma_wait3A_174] : memref<6x128x64xf32, #tpu.memory_space<vmem>> -> memref<1x128x64xf32, #tpu.memory_space<vmem>>
    %dma_wait3A_176 = tpu.memref_squeeze %dma_wait3A_175 : memref<1x128x64xf32, #tpu.memory_space<vmem>> -> memref<128x64xf32, #tpu.memory_space<vmem>>
    %dma_wait3A_177 = arith.constant 0 : i32
    %dma_wait3A_178 = tpu.memref_slice %arg6[%dma_wait3A_172, %dma_wait3A_177] : memref<157x128xi32, #tpu.memory_space<vmem>> -> memref<1x128xi32, #tpu.memory_space<vmem>>
    %dma_wait3A_179 = tpu.memref_squeeze %dma_wait3A_178 : memref<1x128xi32, #tpu.memory_space<vmem>> -> memref<128xi32, #tpu.memory_space<vmem>>
    %dma_wait3A_180 = arith.constant 0 : i32
    %dma_wait3A_181 = arith.constant 0 : i32
    %dma_wait3A_182 = tpu.memref_slice %arg8[%dma_wait3A_180, %dma_wait3A_181] : memref<10240x64xf32, #tpu.memory_space<vmem_shared>> -> memref<10240x64xf32, #tpu.memory_space<vmem_shared>>
    tpu.wait_indirect_dma semaphore(%arg10 : memref<!tpu.dma_semaphore, #tpu.memory_space<semaphore_mem>>) src(%dma_wait3A_176 : memref<128x64xf32, #tpu.memory_space<vmem>>) dst(%dma_wait3A_182 : memref<10240x64xf32, #tpu.memory_space<vmem_shared>>)
    %dma_wait3A_183 = arith.constant 4 : i32
    %dma_wait3A_184 = arith.constant 0 : i32
    %dma_wait3A_185 = arith.constant 0 : i32
    %dma_wait3A_186 = arith.constant 0 : i32
    %dma_wait3A_187 = tpu.memref_slice %arg7[%dma_wait3A_183, %dma_wait3A_185, %dma_wait3A_186] : memref<6x128x64xf32, #tpu.memory_space<vmem>> -> memref<1x128x64xf32, #tpu.memory_space<vmem>>
    %dma_wait3A_188 = tpu.memref_squeeze %dma_wait3A_187 : memref<1x128x64xf32, #tpu.memory_space<vmem>> -> memref<128x64xf32, #tpu.memory_space<vmem>>
    %dma_wait3A_189 = arith.constant 0 : i32
    %dma_wait3A_190 = tpu.memref_slice %arg6[%dma_wait3A_184, %dma_wait3A_189] : memref<157x128xi32, #tpu.memory_space<vmem>> -> memref<1x128xi32, #tpu.memory_space<vmem>>
    %dma_wait3A_191 = tpu.memref_squeeze %dma_wait3A_190 : memref<1x128xi32, #tpu.memory_space<vmem>> -> memref<128xi32, #tpu.memory_space<vmem>>
    %dma_wait3A_192 = arith.constant 0 : i32
    %dma_wait3A_193 = arith.constant 0 : i32
    %dma_wait3A_194 = tpu.memref_slice %arg8[%dma_wait3A_192, %dma_wait3A_193] : memref<10240x64xf32, #tpu.memory_space<vmem_shared>> -> memref<10240x64xf32, #tpu.memory_space<vmem_shared>>
    tpu.wait_indirect_dma semaphore(%arg10 : memref<!tpu.dma_semaphore, #tpu.memory_space<semaphore_mem>>) src(%dma_wait3A_188 : memref<128x64xf32, #tpu.memory_space<vmem>>) dst(%dma_wait3A_194 : memref<10240x64xf32, #tpu.memory_space<vmem_shared>>)
    %dma_wait3A_195 = arith.constant 5 : i32
    %dma_wait3A_196 = arith.constant 0 : i32
    %dma_wait3A_197 = arith.constant 0 : i32
    %dma_wait3A_198 = arith.constant 0 : i32
    %dma_wait3A_199 = tpu.memref_slice %arg7[%dma_wait3A_195, %dma_wait3A_197, %dma_wait3A_198] : memref<6x128x64xf32, #tpu.memory_space<vmem>> -> memref<1x128x64xf32, #tpu.memory_space<vmem>>
    %dma_wait3A_200 = tpu.memref_squeeze %dma_wait3A_199 : memref<1x128x64xf32, #tpu.memory_space<vmem>> -> memref<128x64xf32, #tpu.memory_space<vmem>>
    %dma_wait3A_201 = arith.constant 0 : i32
    %dma_wait3A_202 = tpu.memref_slice %arg6[%dma_wait3A_196, %dma_wait3A_201] : memref<157x128xi32, #tpu.memory_space<vmem>> -> memref<1x128xi32, #tpu.memory_space<vmem>>
    %dma_wait3A_203 = tpu.memref_squeeze %dma_wait3A_202 : memref<1x128xi32, #tpu.memory_space<vmem>> -> memref<128xi32, #tpu.memory_space<vmem>>
    %dma_wait3A_204 = arith.constant 0 : i32
    %dma_wait3A_205 = arith.constant 0 : i32
    %dma_wait3A_206 = tpu.memref_slice %arg8[%dma_wait3A_204, %dma_wait3A_205] : memref<10240x64xf32, #tpu.memory_space<vmem_shared>> -> memref<10240x64xf32, #tpu.memory_space<vmem_shared>>
    tpu.wait_indirect_dma semaphore(%arg10 : memref<!tpu.dma_semaphore, #tpu.memory_space<semaphore_mem>>) src(%dma_wait3A_200 : memref<128x64xf32, #tpu.memory_space<vmem>>) dst(%dma_wait3A_206 : memref<10240x64xf32, #tpu.memory_space<vmem_shared>>)
    %barrier3A_207 = arith.constant 0 : index
    tpu.barrier barrier_id(%barrier3A_207)
    %mul3A_208 = arith.constant 640 : i32
    %mul3A_209 = arith.muli %arg1, %mul3A_208 : i32
    %mul3A_210 = arith.constant 640 : i32
    %mul3A_211 = arith.muli %arg1, %mul3A_210 : i32
    %mul3A_212 = arith.constant 64 : i32
    %mul3A_213 = arith.muli %arg0, %mul3A_212 : i32
    "tpu.region"() ({
      %run_scoped3A_214 = tpu.sem_alloc : memref<!tpu.dma_semaphore, #tpu.memory_space<semaphore_mem>>
      %dma_start3A_215 = tpu.memref_slice %arg4[%mul3A_211, %mul3A_213] : memref<10240x128xf32, #tpu.memory_space<hbm>> -> memref<640x64xf32, #tpu.memory_space<hbm>>
      %dma_start3A_216 = arith.constant 0 : i32
      %dma_start3A_217 = tpu.memref_slice %arg8[%mul3A_209, %dma_start3A_216] : memref<10240x64xf32, #tpu.memory_space<vmem_shared>> -> memref<640x64xf32, #tpu.memory_space<vmem_shared>>
      tpu.enqueue_dma source(%dma_start3A_217 : memref<640x64xf32, #tpu.memory_space<vmem_shared>>) target(%dma_start3A_215 : memref<640x64xf32, #tpu.memory_space<hbm>>) target_semaphore(%run_scoped3A_214 : memref<!tpu.dma_semaphore, #tpu.memory_space<semaphore_mem>>)
      %dma_wait3A_218 = tpu.memref_slice %arg4[%mul3A_211, %mul3A_213] : memref<10240x128xf32, #tpu.memory_space<hbm>> -> memref<640x64xf32, #tpu.memory_space<hbm>>
      %dma_wait3A_219 = arith.constant 0 : i32
      %dma_wait3A_220 = tpu.memref_slice %arg8[%mul3A_209, %dma_wait3A_219] : memref<10240x64xf32, #tpu.memory_space<vmem_shared>> -> memref<640x64xf32, #tpu.memory_space<vmem_shared>>
      tpu.wait_dma2 semaphore(%run_scoped3A_214 : memref<!tpu.dma_semaphore, #tpu.memory_space<semaphore_mem>>) src(%dma_wait3A_220 : memref<640x64xf32, #tpu.memory_space<vmem_shared>>) dst(%dma_wait3A_218 : memref<640x64xf32, #tpu.memory_space<hbm>>)
      tpu.yield
    }) : () -> ()
    return
  }
}

module attributes {stable_mosaic.version = 14 : i64} {
  func.func @body(%arg0: i32, %arg1: memref<5000x128xf32, #tpu.memory_space<vmem>>, %arg2: memref<5000x128xf32, #tpu.memory_space<vmem>>, %arg3: memref<128x128xf32, #tpu.memory_space<vmem>>, %arg4: memref<128x128xf32, #tpu.memory_space<vmem>>, %arg5: memref<5000x128xf32, #tpu.memory_space<vmem>>) attributes {dimension_semantics = [#tpu.dimension_semantics<arbitrary>], iteration_bounds = array<i64: 2>, scalar_prefetch = 0 : i64, scratch_operands = 0 : i64, tpu.core_type = #tpu.core_type<tc>, window_params = [{transform_indices = @transform_0, window_bounds = array<i64: 5000, 128>}, {transform_indices = @transform_1, window_bounds = array<i64: 5000, 128>}, {pipeline_mode = #tpu.pipeline_mode<synchronous>, transform_indices = @transform_2, window_bounds = array<i64: 128, 128>}, {pipeline_mode = #tpu.pipeline_mode<synchronous>, transform_indices = @transform_3, window_bounds = array<i64: 128, 128>}, {transform_indices = @transform_4, window_bounds = array<i64: 5000, 128>}]} {
    %get3A = arith.constant 0 : index
    %get3A_0 = arith.constant 0 : index
    %get3A_1 = vector.load %arg1[%get3A, %get3A_0] : memref<5000x128xf32, #tpu.memory_space<vmem>>, vector<5000x128xf32>
    %get3A_2 = arith.constant 0 : index
    %get3A_3 = arith.constant 0 : index
    %get3A_4 = vector.load %arg3[%get3A_2, %get3A_3] : memref<128x128xf32, #tpu.memory_space<vmem>>, vector<128x128xf32>
    %dot_general3A = arith.constant dense<0.000000e+00> : vector<5000x128xf32>
    %dot_general3A_5 = tpu.matmul %get3A_1, %get3A_4, %dot_general3A {dimension_numbers = #tpu.dot_dimension_numbers<[1], [0], [0], [1], [0, 0, 1, 1], [], []>, transpose_lhs_hint = false} : vector<5000x128xf32>, vector<128x128xf32>, vector<5000x128xf32> -> vector<5000x128xf32>
    %get3A_6 = arith.constant 0 : index
    %get3A_7 = arith.constant 0 : index
    %get3A_8 = vector.load %arg2[%get3A_6, %get3A_7] : memref<5000x128xf32, #tpu.memory_space<vmem>>, vector<5000x128xf32>
    %get3A_9 = arith.constant 0 : index
    %get3A_10 = arith.constant 0 : index
    %get3A_11 = vector.load %arg4[%get3A_9, %get3A_10] : memref<128x128xf32, #tpu.memory_space<vmem>>, vector<128x128xf32>
    %dot_general3A_12 = arith.constant dense<0.000000e+00> : vector<5000x128xf32>
    %dot_general3A_13 = tpu.matmul %get3A_8, %get3A_11, %dot_general3A_12 {dimension_numbers = #tpu.dot_dimension_numbers<[1], [0], [0], [1], [0, 0, 1, 1], [], []>, transpose_lhs_hint = false} : vector<5000x128xf32>, vector<128x128xf32>, vector<5000x128xf32> -> vector<5000x128xf32>
    %add3A = arith.addf %dot_general3A_5, %dot_general3A_13 : vector<5000x128xf32>
    %max3A = arith.constant 0.000000e+00 : f32
    %max3A_14 = vector.broadcast %max3A : f32 to vector<5000x128xf32>
    %max3A_15 = arith.maximumf %add3A, %max3A_14 : vector<5000x128xf32>
    %swap3A = arith.constant 0 : index
    %swap3A_16 = arith.constant 0 : index
    %swap3A_17 = vector.load %arg5[%swap3A, %swap3A_16] : memref<5000x128xf32, #tpu.memory_space<vmem>>, vector<5000x128xf32>
    tpu.vector_store %arg5[%swap3A, %swap3A_16], %max3A_15 {strides = array<i32>} : memref<5000x128xf32, #tpu.memory_space<vmem>>, vector<5000x128xf32>,
    return
  }
  func.func @transform_0(%arg0: i32) -> (i32, i32) {
    %c0_i32 = arith.constant 0 : i32
    %c0_i32_0 = arith.constant 0 : i32
    return %arg0, %c0_i32 : i32, i32
  }
  func.func @transform_1(%arg0: i32) -> (i32, i32) {
    %c0_i32 = arith.constant 0 : i32
    %c0_i32_0 = arith.constant 0 : i32
    return %arg0, %c0_i32 : i32, i32
  }
  func.func @transform_2(%arg0: i32) -> (i32, i32) {
    %c0_i32 = arith.constant 0 : i32
    %c0_i32_0 = arith.constant 0 : i32
    %c0_i32_1 = arith.constant 0 : i32
    return %c0_i32, %c0_i32_0 : i32, i32
  }
  func.func @transform_3(%arg0: i32) -> (i32, i32) {
    %c0_i32 = arith.constant 0 : i32
    %c0_i32_0 = arith.constant 0 : i32
    %c0_i32_1 = arith.constant 0 : i32
    return %c0_i32, %c0_i32_0 : i32, i32
  }
  func.func @transform_4(%arg0: i32) -> (i32, i32) {
    %c0_i32 = arith.constant 0 : i32
    %c0_i32_0 = arith.constant 0 : i32
    return %arg0, %c0_i32 : i32, i32
  }
}

</mosaic_0001>

<sc_bundles>
// kernel: kernel.4.cloned.1.call-start
scs
__scs_entry_jumppad:
0x0: {  	(pc) =	sbr.rel $0x88, $3  }
0x1: {  	(tag) =	ssettag $0x0;
	lr =	simm.s32 $0x1  }
0x2: {  	[smem:$0x3F9D] =	sst lr;
	_ =	strace $0xD0000000  }
0x3: {  	_ = 	snop  }
0x4: {  	_ = 	snop  }
0x5: {  	_ = 	snop  }
0x6: {  	_ = 	snop  }
0x7: {  	_ = 	snop  }
__scs_overlays_trampoline_lowered:
0x8: {  	[smem:$0x3FAC] =	sst s0  }
0x9: {  	[smem:$0x3FAD] =	sst s1  }
0xa: {  	[smem:$0x3FAE] =	sst s2  }
0xb: {  	[smem:$0x3FAF] =	sst s3  }
0xc: {  	[smem:$0x3FB0] =	sst s4  }
0xd: {  	[smem:$0x3FB1] =	sst s5  }
0xe: {  	[smem:$0x3FB2] =	sst s6  }
0xf: {  	[smem:$0x3FB3] =	sst s7  }
0x10: {  	[smem:$0x3FB4] =	sst s8  }
0x11: {  	[smem:$0x3FB5] =	sst s9;
	s0 =	simm.s32 @!p0 $0x0  }
0x12: {  	s1 =	sld [smem:$0x3F9B];
	s0 =	simm.s32 @p0 $0x1  }
0x13: {  	[smem:$0x3FB6] =	sst s0;
	s0 =	simm.s32 @!p1 $0x0  }
0x14: {  	s2 =	sld [smem:$0x3F9A];
	s0 =	simm.s32 @p1 $0x1  }
0x15: {  	[smem:$0x3FB7] =	sst s0;
	s0 =	simm.s32 @!p2 $0x0  }
0x16: {  	s3 =	sld [smem:$0x3FDB];
	s0 =	simm.s32 @p2 $0x1  }
0x17: {  	s4 =	simm.s32 $0x1BF5;
	[smem:$0x3FB9] =	sst s0  }
0x18: {  	s0 =	sld [smem:$0x3F9C];
	_ =	swait.ge [sflag:s4], $0x0  }
0x19: {  	s7 =	sld [smem:$0x3F9D]  }
0x1a: {  	s8 =	sadd.s32 $0xFFFFE003, lr  }
0x1b: {  	s9 =	sadd.s32 $0xFFFFFEF7, lr;
	s5 =	simm.s32 $0xFFFFFFFF;
	p2 =	slt.u32 s8, $0xFFFFF086  }
0x1c: {  	p1 =	slt.u32 s9, $0xF7A;
	s5 =	simm.s32 @!p2 $0x0  }
0x1d: {  	s5 =	simm.s32 @p1 $0x1;
	p0 =	seq.s32 s7, s2  }
0x1e: {  	s7 =	smul.u32 @!p0 $0xF7A, s2;
	p2 =	seq.s32 @!p0 s5, $0x0  }
0x1f: {  	s9 =	smul.u32 $0xF7A, s1;
	s8 =	simm.s32 @!p0 $0x1BF5;
	p2 =	por !p2, p0  }
0x20: {  	[sflag:s8] =	ssyncset.s32 @!p0 $0xFFFFF086;
	s6 =	sadd.s32 @!p0 s3, s7;
	s7 =	simm.s32 @!p0 $0x108  }
0x21: {  	s3 =	sadd.s32 s3, s9;
	s6 =	sadd.s32 @!p0 $0x88, s6;
	s7 =	simm.s32 @p2 $0x1082  }
0x22: {  	[simem:s7], [sflag:s8] =	dma.local @!p0 [hbm:s6], $0xF7A  }
0x23: {  	s9 =	sor.u32 $0xD0000000, s2;
	s6 =	simm.s32 $0x108;
	_ =	swait.ge @!p0 [sflag:s8], $0x0  }
0x24: {  	s3 =	sadd.s32 $0x88, s3;
	s6 =	simm.s32 @!p1 $0x1082;
	[sflag:s4] =	ssyncset.s32 $0xFFFFF086  }
0x25: {  	[simem:s6], [sflag:s4] =	dma.local [hbm:s3], $0xF7A  }
0x26: {  	[smem:$0x3F9D] =	sst s1;
	(tag) =	ssettag s2;
	_ =	strace s9  }
0x27: {  	s1 =	sld [smem:$0x3FAD]  }
0x28: {  	s2 =	sld [smem:$0x3FAE]  }
0x29: {  	s4 =	sld [smem:$0x3FB0]  }
0x2a: {  	p0 =	seq.s32 s5, $0x0;
	s5 =	sld [smem:$0x3FB1]  }
0x2b: {  	s6 =	sld [smem:$0x3FB2]  }
0x2c: {  	s7 =	sld [smem:$0x3FB3]  }
0x2d: {  	s3 =	simm.s32 $0x108;
	s8 =	sld [smem:$0x3FB4]  }
0x2e: {  	s3 =	simm.s32 @!p0 $0x1082;
	s9 =	sld [smem:$0x3FB5]  }
0x2f: {  	lr =	sadd.s32 s0, s3;
	s0 =	sld [smem:$0x3FAC]  }
0x30: {  	s3 =	sld [smem:$0x3FAF]  }
0x31: {  	[smem:$0x3FB8] =	sst s10  }
0x32: {  	s10 =	sld [smem:$0x3FB6];
	_ =	sdelay $0x3  }
0x33: {  	p0 =	seq.s32 s10, $0x1;
	s10 =	sld [smem:$0x3FB8];
	_ =	sdelay $0x3  }
0x34: {  	[smem:$0x3FB8] =	sst s10  }
0x35: {  	s10 =	sld [smem:$0x3FB7];
	_ =	sdelay $0x3  }
0x36: {  	p1 =	seq.s32 s10, $0x1;
	s10 =	sld [smem:$0x3FB8];
	_ =	sdelay $0x3  }
0x37: {  	[smem:$0x3FB8] =	sst s10  }
0x38: {  	s10 =	sld [smem:$0x3FB9]  }
0x39: {  	_ = 	snop;
	(pc) =	sbr.ind lr, $3  }
0x3a: {  	_ = 	snop  }
0x3b: {  	_ = 	snop  }
0x3c: {  	p2 =	seq.s32 s10, $0x1;
	s10 =	sld [smem:$0x3FB8]  }
0x3d: {  	_ =	shalt  }
0x3e: {  	_ =	shalt  }
0x3f: {  	_ =	shalt  }
0x40: {  	_ =	shalt  }
0x41: {  	_ =	shalt  }
0x42: {  	_ =	shalt  }
0x43: {  	_ =	shalt  }
0x44: {  	_ =	shalt  }
0x45: {  	_ =	shalt  }
0x46: {  	_ =	shalt  }
0x47: {  	_ =	shalt  }
0x48: {  	_ =	shalt  }
0x49: {  	_ =	shalt  }
0x4a: {  	_ =	shalt  }
0x4b: {  	_ =	shalt  }
0x4c: {  	_ =	shalt  }
0x4d: {  	_ =	shalt  }
0x4e: {  	_ =	shalt  }
0x4f: {  	_ =	shalt  }
0x50: {  	_ =	shalt  }
0x51: {  	_ =	shalt  }
0x52: {  	_ =	shalt  }
0x53: {  	_ =	shalt  }
0x54: {  	_ =	shalt  }
0x55: {  	_ =	shalt  }
0x56: {  	_ =	shalt  }
0x57: {  	_ =	shalt  }
0x58: {  	_ =	shalt  }
0x59: {  	_ =	shalt  }
0x5a: {  	_ =	shalt  }
0x5b: {  	_ =	shalt  }
0x5c: {  	_ =	shalt  }
0x5d: {  	_ =	shalt  }
0x5e: {  	_ =	shalt  }
0x5f: {  	_ =	shalt  }
0x60: {  	_ =	shalt  }
0x61: {  	_ =	shalt  }
0x62: {  	_ =	shalt  }
0x63: {  	_ =	shalt  }
0x64: {  	_ =	shalt  }
0x65: {  	_ =	shalt  }
0x66: {  	_ =	shalt  }
0x67: {  	_ =	shalt  }
0x68: {  	_ =	shalt  }
0x69: {  	_ =	shalt  }
0x6a: {  	_ =	shalt  }
0x6b: {  	_ =	shalt  }
0x6c: {  	_ =	shalt  }
0x6d: {  	_ =	shalt  }
0x6e: {  	_ =	shalt  }
0x6f: {  	_ =	shalt  }
0x70: {  	_ =	shalt  }
0x71: {  	_ =	shalt  }
0x72: {  	_ =	shalt  }
0x73: {  	_ =	shalt  }
0x74: {  	_ =	shalt  }
0x75: {  	_ =	shalt  }
0x76: {  	_ =	shalt  }
0x77: {  	_ =	shalt  }
0x78: {  	_ =	shalt  }
0x79: {  	_ =	shalt  }
0x7a: {  	_ =	shalt  }
0x7b: {  	_ =	shalt  }
0x7c: {  	_ =	shalt  }
0x7d: {  	_ =	shalt  }
0x7e: {  	_ =	shalt  }
0x7f: {  	_ =	shalt  }
0x80: {  	_ =	shalt  }
0x81: {  	_ =	shalt  }
0x82: {  	_ =	shalt  }
0x83: {  	_ =	shalt  }
0x84: {  	_ =	shalt  }
0x85: {  	_ =	shalt  }
0x86: {  	_ =	shalt  }
0x87: {  	_ =	shalt  }
.Lfunc_end0:
.L_simem_size_0:
called_computation_lowered:
.L_overlay_start_0:
0x88: {  	s2 =	sld [smem:$0x3FD9]  }
0x89: {  	s3 =	sld [smem:$0x3FFE];
	_ =	sdelay $0x1  }
0x8a: {  	s1 =	srdreg.scid  }
0x8b: {  	s0 =	sand.u32 $0x1, s1  }
0x8c: {  	s17 =	sshll.u32 s0, $0xA;
	s2 =	sadd.s32 s3, s2  }
0x8d: {  	s2 =	sadd.s32 s2, s17  }
0x8e: {  	[smem:$0x3FC4] =	sst s2  }
0x8f: {  	_ = 	snop  }
0x90: {  	s2 =	sld [smem:$0x3FC9]  }
0x91: {  	s18 =	sld [smem:$0x3FD0];
	(tm) =	ssettm $0x1  }
0x92: {  	s4 =	sld [smem:$0x3FFB];
	_ =	sdelay $0x3  }
0x93: {  	_ =	strace s4  }
0x94: {  	s4 =	sld [smem:$0x3FFC];
	_ =	sdelay $0x3  }
0x95: {  	_ =	strace s4  }
0x96: {  	s4 =	sld [smem:$0x3FFD];
	_ =	sdelay $0x3  }
0x97: {  	_ =	strace s4  }
0x98: {  	_ =	strace $0x8FFFFFFF  }
0x99: {  	s19 =	sld [smem:$0x3FDB];
	_ =	sdelay $0x1  }
0x9a: {  	s5 =	simm.s32 $_scs_section_size  }
0x9b: {  	s6 =	simm.s32 $_size__tile_overlayer_lowered;
	s7 =	simm.s32 $_tile_overlayer_lowered  }
0x9c: {  	s22 =	simm.s32 $0x1BFF;
	s21 =	sshll.u32 s7, $0x1;
	s4 =	sadd.s32 s5, s19  }
0x9d: {  	s8 =	simm.s32 $0x0;
	s20 =	sshll.u32 s6, $0x1;
	s6 =	sadd.s32 s21, s4  }
0x9e: {  	[timem:s8], [sflag:s22] =	dma.local [hbm:s6], s20  }
0x9f: {  	_ =	swait.ge [sflag:s22], s20  }
0xa0: {  	s5 =	ssub.s32 $0x0, s20;
	[sflag:s22] =	ssyncset.done $0x0  }
0xa1: {  	[sflag:s22] =	ssyncadd.s32 s5;
	_ =	sdelay $0x1  }
0xa2: {  	s23 =	simm.s32 $0x1B8B  }
0xa3: {  	_ =	swait.ge [sflag:s23], $0x1  }
0xa4: {  	[sflag:s23] =	ssyncset.done $0x0  }
0xa5: {  	s25 =	simm.s32 $0x1B8E;
	s24 =	sld [smem:$0x3FFE];
	[sflag:s23] =	ssyncadd.s32 $0xFFFFFFFF  }
0xa6: {  	s26 =	simm.s32 $execute0_lowered;
	[smem:$0x3FD2] =	sst s25  }
0xa7: {  	s6 =	sshll.u32 s26, $0x1;
	_ =	strace $0x80000046;
	[dreg:$0x1] =	wrdreg $0xFFFFFFFF  }
0xa8: {  	s28 =	simm.s32 $_size_execute0_lowered;
	s4 =	sadd.s32 s4, s6;
	[dreg:$0x0] =	wrdreg $0x0  }
0xa9: {  	s6 =	sshll.u32 s28, $0x1;
	[dreg:$0x2] =	wrdreg s4  }
0xaa: {  	[dreg:$0x3] =	wrdreg s6  }
0xab: {  	[dreg:$0x4] =	wrdreg $0xC0  }
0xac: {  	_ =	task [dreg:s8], $0x5FFFF  }
0xad: {  	[dreg:$0x1] =	wrdreg $0xFFFFFFFF  }
0xae: {  	[dreg:$0x0] =	wrdreg $0x60  }
0xaf: {  	[dreg:$0x2] =	wrdreg s2  }
0xb0: {  	[dreg:$0x3] =	wrdreg s18  }
0xb1: {  	[dreg:$0x4] =	wrdreg s24  }
0xb2: {  	[dreg:$0x5] =	wrdreg $0x15D000  }
0xb3: {  	[dreg:$0x6] =	wrdreg $0x9  }
0xb4: {  	_ =	task.clear_ibuf [dreg:s8], $0x7FFFF;
	_ =	strace $0x90000046  }
0xb5: {  	s29 =	simm.s32 $0x9;
	_ =	strace $0x80000048  }
0xb6: {  	_ =	swait.ge [sflag:s29], $0x1  }
0xb7: {  	[sflag:s29] =	ssyncadd.s32 $0xFFFFFFFF  }
0xb8: {  	_ =	strace $0x90000048  }
0xb9: {  	_ =	sfence  }
0xba: {  	s30 =	sld [smem:$0x0];
	_ =	sdelay $0x2  }
0xbb: {  	s31 =	sshll.u32 s1, $0xD;
	s1 =	sshrl.u32 s1, $0x2  }
0xbc: {  	s3 =	sand.u32 $0x4000, s31;
	s1 =	sadd.s32 s1, s30  }
0xbd: {  	s0 =	sor.u32 s3, s0;
	s1 =	sshll.u32 s1, $0x11  }
0xbe: {  	s0 =	sor.u32 s1, s0  }
0xbf: {  	s0 =	sadd.s32 $0x8F2B, s0  }
0xc0: {  	[sflag:s0] =	ssyncadd.remote.s32 $0x1  }
0xc1: {  	_ =	sfence.sel $0xFFFF  }
0xc2: {  	[dreg:$0x0] =	wrdreg $0xFFFFFFFF;
	(pc) =	sbr.abs _section_cstart, $3  }
0xc3: {  	[dreg:$0x1] =	wrdreg $0xFFFFFFFF  }
0xc4: {  	_ =	task.clear_ibuf [dreg:s8], $0x2FFFF;
	_ =	strace $0x9FFFFFFF  }
0xc5: {  	(tm) =	ssettm $0x7FFFFFFF  }
tec
execute0_lowered:
.L_overlay_start_1:
0x0: {  	(tag) =	ssettag $0x1  }
0x1: {  	s1 =	rddreg [dreg:$0x0]  }
0x2: {  	s2 =	rddreg [dreg:$0x1]  }
0x3: {  	s5 =	rddreg [dreg:$0x2];
	s4 =	srdreg.scid  }
0x4: {  	s0 =	stileid.u32;
	s3 =	rddreg [dreg:$0x3]  }
0x5: {  	s15 =	simm.s32 $0x3;
	s17 =	simm.s32 $0x80;
	s28 =	simm.s32 $0x1  }
0x6: {  	s29 =	simm.s32 $0x2;
	s31 =	simm.s32 $0x8;
	s6 =	smul.u32 $0x14000, s0  }
0x7: {  	s16 =	sand.u32 $0x1, s4;
	s4 =	simm.s32 $0x0;
	s23 =	smul.u32 $0x4E80, s0  }
0x8: {  	s8 =	smul.u32 $0x28000, s0;
	s7 =	sshll.u32 s16, $0x6;
	[smem:$0x7FF] =	sst s4  }
0x9: {  	s24 =	ssub.s32 $0x2, s16;
	s6 =	sor.u32 s7, s6;
	_ =	strace $0x80000047  }
0xa: {  	s25 =	sshrl.u32 s23, $0x3;
	s26 =	sshrl.u32 s24, $0x1;
	s30 =	sshrl.u32 s8, $0x2  }
0xb: {  	s6 =	sshrl.u32 s6, $0x3;
	s14 =	ssub.s32 s24, s26;
	s7 =	sadd.s32 s30, s3  }
0xc: {  	s26 =	simm.s32 $0x13D00;
	s13 =	sadd.s32 s6, s5;
	s5 =	sadd.s32 s2, s25  }
0xd: {  	s8 =	sadd.s32 $0x1E00, s7;
	s9 =	sadd.s32 $0x3C00, s7;
	s10 =	sadd.s32 $0x5A00, s7  }
0xe: {  	s11 =	sadd.s32 $0x7800, s7;
	s12 =	sadd.s32 $0x9600, s7;
	s14 =	smax.u32 s14, $0x1  }
0xf: {  	v1 =	vimm.f32 $0.0e+00;
	v0 =	vmov s16;
	s2 =	simm.s32 $0x0;
	s6 =	sadd.s32 $0x9D00, s5;
	s13 =	sadd.s32 $0x1200, s13  }
.LBB2_1:
0x10: {  	[tilespmem:s4], [sflag:$0x3] =	stream.linear.gather [hbm4b:s5+s4], $0x4E80, $0x38;
	[tilespmem:$0x1FD00] =	vst v63  }
0x11: {  	_ =	swait.ge [sflag:s15], $0x4E80  }
0x12: {  	[sflag:s15] =	ssyncset.done $0x0  }
0x13: {  	s16 =	simm.s32 $0x4E80;
	[sflag:s15] =	ssyncadd.s32 $0xFFFFB180  }
0x14: {  	[tilespmem:s16], [sflag:$0x3] =	stream.linear.gather [hbm4b:s6+s4], $0x4E80, $0x38;
	[tilespmem:$0x1FD00] =	vst v63  }
0x15: {  	_ =	swait.ge [sflag:s15], $0x4E80  }
0x16: {  	[sflag:s15] =	ssyncset.done $0x0  }
0x17: {  	[sflag:s15] =	ssyncadd.s32 $0xFFFFB180  }
0x18: {  	v2 =	vld [tilespmem:$0x0]  }
0x19: {  	v3 =	vld [tilespmem:$0x10]  }
0x1a: {  	v4 =	vld [tilespmem:$0x20]  }
0x1b: {  	v5 =	vld [tilespmem:$0x30]  }
0x1c: {  	v6 =	vld [tilespmem:$0x40]  }
0x1d: {  	v7 =	vld [tilespmem:$0x50];
	v2 =	vshll.u32 v2, $0x1  }
0x1e: {  	v8 =	vld [tilespmem:$0x60];
	v3 =	vshll.u32 v3, $0x1;
	v2 =	vor.u32 v0, v2  }
0x1f: {  	v39 =	vld [tilespmem:$0x70];
	[tilespmem:$0x0] =	vst v2;
	v2 =	vor.u32 v0, v3;
	v3 =	vshll.u32 v4, $0x1  }
0x20: {  	[tilespmem:$0x10] =	vst v2;
	v2 =	vor.u32 v0, v3;
	v3 =	vshll.u32 v5, $0x1  }
0x21: {  	[tilespmem:$0x20] =	vst v2;
	v2 =	vor.u32 v0, v3;
	v3 =	vshll.u32 v6, $0x1  }
0x22: {  	[tilespmem:$0x30] =	vst v2;
	v2 =	vor.u32 v0, v3;
	v3 =	vshll.u32 v7, $0x1  }
0x23: {  	[tilespmem:$0x40] =	vst v2;
	v2 =	vor.u32 v0, v3;
	v3 =	vshll.u32 v8, $0x1  }
0x24: {  	[tilespmem:$0x50] =	vst v2;
	v2 =	vor.u32 v0, v3;
	v3 =	vshll.u32 v39, $0x1  }
0x25: {  	[tilespmem:$0x60] =	vst v2;
	v2 =	vor.u32 v0, v3  }
0x26: {  	s18 =	simm.s32 $0x9D00;
	[tilespmem:$0x70] =	vst v2  }
0x27: {  	[tilespmem:s18], [sflag:$0x1] =	stream.indirect.gather [hbm4b:s1+s17], $0x40, s4, s17, $0xb8;
	[tilespmem:$0x1FD00] =	vst v63  }
0x28: {  	v2 =	vld [tilespmem:$0x80]  }
0x29: {  	v3 =	vld [tilespmem:$0x90]  }
0x2a: {  	v40 =	vld [tilespmem:$0xA0]  }
0x2b: {  	v41 =	vld [tilespmem:$0xB0]  }
0x2c: {  	v42 =	vld [tilespmem:$0xC0]  }
0x2d: {  	v43 =	vld [tilespmem:$0xD0];
	v2 =	vshll.u32 v2, $0x1  }
0x2e: {  	v44 =	vld [tilespmem:$0xE0];
	v3 =	vshll.u32 v3, $0x1;
	v2 =	vor.u32 v0, v2  }
0x2f: {  	v45 =	vld [tilespmem:$0xF0];
	[tilespmem:$0x80] =	vst v2;
	v2 =	vor.u32 v0, v3;
	v3 =	vshll.u32 v40, $0x1  }
0x30: {  	[tilespmem:$0x90] =	vst v2;
	v2 =	vor.u32 v0, v3;
	v3 =	vshll.u32 v41, $0x1  }
0x31: {  	[tilespmem:$0xA0] =	vst v2;
	v2 =	vor.u32 v0, v3;
	v3 =	vshll.u32 v42, $0x1  }
0x32: {  	[tilespmem:$0xB0] =	vst v2;
	v2 =	vor.u32 v0, v3;
	v3 =	vshll.u32 v43, $0x1  }
0x33: {  	[tilespmem:$0xC0] =	vst v2;
	v2 =	vor.u32 v0, v3;
	v3 =	vshll.u32 v44, $0x1  }
0x34: {  	[tilespmem:$0xD0] =	vst v2;
	v2 =	vor.u32 v0, v3;
	v3 =	vshll.u32 v45, $0x1  }
0x35: {  	[tilespmem:$0xE0] =	vst v2;
	v2 =	vor.u32 v0, v3  }
0x36: {  	s19 =	simm.s32 $0xBD00;
	[tilespmem:$0xF0] =	vst v2  }
0x37: {  	[tilespmem:s19], [sflag:$0x1] =	stream.indirect.gather [hbm4b:s1+s17], $0x40, s17, s17, $0xb8;
	[tilespmem:$0x1FD00] =	vst v63  }
0x38: {  	v2 =	vld [tilespmem:$0x100]  }
0x39: {  	v3 =	vld [tilespmem:$0x110]  }
0x3a: {  	v46 =	vld [tilespmem:$0x120]  }
0x3b: {  	v47 =	vld [tilespmem:$0x130]  }
0x3c: {  	v48 =	vld [tilespmem:$0x140]  }
0x3d: {  	v49 =	vld [tilespmem:$0x150];
	v2 =	vshll.u32 v2, $0x1  }
0x3e: {  	v50 =	vld [tilespmem:$0x160];
	v3 =	vshll.u32 v3, $0x1;
	v2 =	vor.u32 v0, v2  }
0x3f: {  	v51 =	vld [tilespmem:$0x170];
	[tilespmem:$0x100] =	vst v2;
	v2 =	vor.u32 v0, v3;
	v3 =	vshll.u32 v46, $0x1  }
0x40: {  	[tilespmem:$0x110] =	vst v2;
	v2 =	vor.u32 v0, v3;
	v3 =	vshll.u32 v47, $0x1  }
0x41: {  	[tilespmem:$0x120] =	vst v2;
	v2 =	vor.u32 v0, v3;
	v3 =	vshll.u32 v48, $0x1  }
0x42: {  	[tilespmem:$0x130] =	vst v2;
	v2 =	vor.u32 v0, v3;
	v3 =	vshll.u32 v49, $0x1  }
0x43: {  	[tilespmem:$0x140] =	vst v2;
	v2 =	vor.u32 v0, v3;
	v3 =	vshll.u32 v50, $0x1  }
0x44: {  	[tilespmem:$0x150] =	vst v2;
	v2 =	vor.u32 v0, v3;
	v3 =	vshll.u32 v51, $0x1  }
0x45: {  	[tilespmem:$0x160] =	vst v2;
	v2 =	vor.u32 v0, v3  }
0x46: {  	s20 =	simm.s32 $0x100;
	s18 =	simm.s32 $0xDD00;
	[tilespmem:$0x170] =	vst v2  }
0x47: {  	[tilespmem:s18], [sflag:$0x1] =	stream.indirect.gather [hbm4b:s1+s17], $0x40, s20, s17, $0xb8;
	[tilespmem:$0x1FD00] =	vst v63  }
0x48: {  	v2 =	vld [tilespmem:$0x180]  }
0x49: {  	v3 =	vld [tilespmem:$0x190]  }
0x4a: {  	v52 =	vld [tilespmem:$0x1A0]  }
0x4b: {  	v53 =	vld [tilespmem:$0x1B0]  }
0x4c: {  	v54 =	vld [tilespmem:$0x1C0]  }
0x4d: {  	v55 =	vld [tilespmem:$0x1D0];
	v2 =	vshll.u32 v2, $0x1  }
0x4e: {  	v56 =	vld [tilespmem:$0x1E0];
	v3 =	vshll.u32 v3, $0x1;
	v2 =	vor.u32 v0, v2  }
0x4f: {  	v57 =	vld [tilespmem:$0x1F0];
	[tilespmem:$0x180] =	vst v2;
	v2 =	vor.u32 v0, v3;
	v3 =	vshll.u32 v52, $0x1  }
0x50: {  	[tilespmem:$0x190] =	vst v2;
	v2 =	vor.u32 v0, v3;
	v3 =	vshll.u32 v53, $0x1  }
0x51: {  	[tilespmem:$0x1A0] =	vst v2;
	v2 =	vor.u32 v0, v3;
	v3 =	vshll.u32 v54, $0x1  }
0x52: {  	[tilespmem:$0x1B0] =	vst v2;
	v2 =	vor.u32 v0, v3;
	v3 =	vshll.u32 v55, $0x1  }
0x53: {  	[tilespmem:$0x1C0] =	vst v2;
	v2 =	vor.u32 v0, v3;
	v3 =	vshll.u32 v56, $0x1  }
0x54: {  	[tilespmem:$0x1D0] =	vst v2;
	v2 =	vor.u32 v0, v3;
	v3 =	vshll.u32 v57, $0x1  }
0x55: {  	[tilespmem:$0x1E0] =	vst v2;
	v2 =	vor.u32 v0, v3  }
0x56: {  	s21 =	simm.s32 $0x180;
	s22 =	simm.s32 $0xFD00;
	[tilespmem:$0x1F0] =	vst v2  }
0x57: {  	[tilespmem:s22], [sflag:$0x1] =	stream.indirect.gather [hbm4b:s1+s17], $0x40, s21, s17, $0xb8;
	[tilespmem:$0x1FD00] =	vst v63  }
0x58: {  	v2 =	vld [tilespmem:$0x200]  }
0x59: {  	v3 =	vld [tilespmem:$0x210]  }
0x5a: {  	v58 =	vld [tilespmem:$0x220]  }
0x5b: {  	v59 =	vld [tilespmem:$0x230]  }
0x5c: {  	v60 =	vld [tilespmem:$0x240]  }
0x5d: {  	v61 =	vld [tilespmem:$0x250];
	v2 =	vshll.u32 v2, $0x1  }
0x5e: {  	v62 =	vld [tilespmem:$0x260];
	v3 =	vshll.u32 v3, $0x1;
	v2 =	vor.u32 v0, v2  }
0x5f: {  	v63 =	vld [tilespmem:$0x270];
	[tilespmem:$0x200] =	vst v2;
	v2 =	vor.u32 v0, v3;
	v3 =	vshll.u32 v58, $0x1  }
0x60: {  	[tilespmem:$0x210] =	vst v2;
	v2 =	vor.u32 v0, v3;
	v3 =	vshll.u32 v59, $0x1  }
0x61: {  	[tilespmem:$0x220] =	vst v2;
	v2 =	vor.u32 v0, v3;
	v3 =	vshll.u32 v60, $0x1  }
0x62: {  	[tilespmem:$0x230] =	vst v2;
	v2 =	vor.u32 v0, v3;
	v3 =	vshll.u32 v61, $0x1  }
0x63: {  	[tilespmem:$0x240] =	vst v2;
	v2 =	vor.u32 v0, v3;
	v3 =	vshll.u32 v62, $0x1  }
0x64: {  	s23 =	simm.s32 $0x200;
	s25 =	sand.u32 $0x7F00, s4;
	[tilespmem:$0x250] =	vst v2;
	v2 =	vor.u32 v0, v3;
	v3 =	vshll.u32 v63, $0x1  }
0x65: {  	s24 =	simm.s32 $0x11D00;
	s30 =	sand.u32 $0x30, s4;
	s19 =	sshrl.u32 s25, $0x2;
	[tilespmem:$0x260] =	vst v2;
	v2 =	vor.u32 v0, v3  }
0x66: {  	s16 =	simm.s32 $0x40;
	s19 =	sor.u32 s30, s19;
	s18 =	simm.s32 $0x0;
	[tilespmem:$0x270] =	vst v2  }
0x67: {  	[tilespmem:s24], [sflag:$0x1] =	stream.indirect.gather [hbm4b:s1+s17], $0x40, s23, s17, $0xb8;
	[tilespmem:$0x1FD00] =	vst v63  }
.LBB2_2:
0x68: {  	p0 =	sne.s32 s16, $0x77C0  }
0x69: {  	[tilespmem:s19+$0x13D00] =	vst v1;
	s18 =	sadd.s32 $0x10, s18;
	s19 =	smov.u32 s16;
	s16 =	sadd.s32 $0x40, s16  }
.Ltmp0:
0x6a: {  	(pc) =	sbr.rel @p0 .LBB2_2-.Ltmp0, $4  }
0x6b: {  	_ = 	snop  }
0x6c: {  	s19 =	sand.u32 $0x7F00, s19  }
0x6d: {  	s20 =	sand.u32 $0x30, s18;
	s19 =	sshrl.u32 s19, $0x2  }
0x6e: {  	s19 =	sor.u32 s20, s19  }
0x6f: {  	[tilespmem:s19+$0x13D00] =	vst v1  }
0x70: {  	[spmem:s7] =	stream.linear.scatter [tilespmem:s26], [sflag:$0x3], $0x1E00, $0x38;
	[tilespmem:$0x1FD00] =	vst v63  }
0x71: {  	_ =	swait.ge [sflag:s15], $0x1E00  }
0x72: {  	[sflag:s15] =	ssyncset.done $0x0  }
0x73: {  	[sflag:s15] =	ssyncadd.s32 $0xFFFFE200  }
0x74: {  	[spmem:s8] =	stream.linear.scatter [tilespmem:s26], [sflag:$0x3], $0x1E00, $0x38;
	[tilespmem:$0x1FD00] =	vst v63  }
0x75: {  	_ =	swait.ge [sflag:s15], $0x1E00  }
0x76: {  	[sflag:s15] =	ssyncset.done $0x0  }
0x77: {  	[sflag:s15] =	ssyncadd.s32 $0xFFFFE200  }
0x78: {  	[spmem:s9] =	stream.linear.scatter [tilespmem:s26], [sflag:$0x3], $0x1E00, $0x38;
	[tilespmem:$0x1FD00] =	vst v63  }
0x79: {  	_ =	swait.ge [sflag:s15], $0x1E00  }
0x7a: {  	[sflag:s15] =	ssyncset.done $0x0  }
0x7b: {  	[sflag:s15] =	ssyncadd.s32 $0xFFFFE200  }
0x7c: {  	[spmem:s10] =	stream.linear.scatter [tilespmem:s26], [sflag:$0x3], $0x1E00, $0x38;
	[tilespmem:$0x1FD00] =	vst v63  }
0x7d: {  	_ =	swait.ge [sflag:s15], $0x1E00  }
0x7e: {  	[sflag:s15] =	ssyncset.done $0x0  }
0x7f: {  	s16 =	simm.s32 $0x0;
	[sflag:s15] =	ssyncadd.s32 $0xFFFFE200  }
0x80: {  	[spmem:s11] =	stream.linear.scatter [tilespmem:s26], [sflag:$0x3], $0x1E00, $0x38;
	[tilespmem:$0x1FD00] =	vst v63  }
0x81: {  	s16 =	smul.u32 $0xAB, s16;
	_ =	swait.ge [sflag:s15], $0x1E00  }
0x82: {  	s18 =	simm.s32 $0x5;
	[sflag:s15] =	ssyncset.done $0x0  }
0x83: {  	p1 =	por $0x0, $0x0;
	s16 =	sshrl.u32 s16, $0xA;
	[sflag:s15] =	ssyncadd.s32 $0xFFFFE200  }
0x84: {  	[spmem:s12] =	stream.linear.scatter [tilespmem:s26], [sflag:$0x3], $0xA00, $0x38;
	[tilespmem:$0x1FD00] =	vst v63  }
0x85: {  	s25 =	simm.s32 $0x4E80;
	s16 =	sand.u32 $0x3F, s16;
	_ =	swait.ge [sflag:s15], $0xA00  }
0x86: {  	s18 =	sand.u32 $0xFF, s18;
	s16 =	smul.u32 $0x6, s16;
	[sflag:s15] =	ssyncset.done $0x0  }
0x87: {  	p0 =	por @!p1 $0x1, $0x1;
	s18 =	smul.u32 $0xAB, s18;
	[sflag:s15] =	ssyncadd.s32 $0xFFFFF600  }
0x88: {  	p2 =	por p0, p1;
	s16 =	ssub.s32 $0x0, s16;
	[bflag:$0x0] =	sbarrier.arrive $0xFFFF  }
0x89: {  	s20 =	simm.s32 @!p2 $0x2;
	s16 =	sand.u32 $0xFF, s16;
	_ =	swait.ge [sflag:s28], $0x2000  }
0x8a: {  	s18 =	sshrl.u32 s18, $0xA;
	s16 =	sshll.u32 s16, $0xD;
	[sflag:s28] =	ssyncset.done $0x0  }
0x8b: {  	s18 =	smul.u32 $0x6, s18;
	s16 =	sadd.s32 $0x9D00, s16;
	[sflag:s28] =	ssyncadd.s32 $0xFFFFE000  }
0x8c: {  	[spmem:s3] =	stream.indirect.scatter.add.f32 [tilespmem:s16], [sflag:$0x2], $0x40, s25, s17, $0xb8;
	[tilespmem:$0x1FD00] =	vst v63  }
0x8d: {  	_ =	swait.ge @!p2 [sflag:s20], $0x2000  }
0x8e: {  	p0 =	por p1, p1;
	s30 =	ssub.s32 $0x5, s18;
	[sflag:s20] =	ssyncset.done @!p2 $0x0  }
0x8f: {  	s18 =	simm.s32 @!p0 $0x0;
	s16 =	sand.u32 $0xFF, s30;
	[sflag:s20] =	ssyncadd.s32 @!p2 $0xFFFFE000  }
0x90: {  	s21 =	simm.s32 $0x6;
	s16 =	sshll.u32 @!p1 s16, $0xD;
	v2 =	vld @!p0 [tilespmem:s18+$0x2B0]  }
0x91: {  	s19 =	simm.s32 @!p0 $0x280;
	s16 =	sadd.s32 @!p1 $0x9D00, s16;
	s20 =	simm.s32 $0x200;
	v3 =	vld @!p0 [tilespmem:s18+$0x2A0]  }
.LBB2_4:
0x92: {  	s23 =	sand.u32 $0xFF, s21;
	v4 =	vld @!p0 [tilespmem:s18+$0x2F0];
	s22 =	smov.u32 s20;
	s20 =	sadd.s32 $0x200, s20  }
0x93: {  	s24 =	sadd.s32 $0xFFFFFFFB, s21;
	s23 =	smul.u32 $0xAB, s23;
	p1 =	sne.s32 s20, $0x13A00;
	v5 =	vld @!p0 [tilespmem:s18+$0x2C0]  }
0x94: {  	s25 =	smul.u32 $0xAB, s24;
	v6 =	vld @!p0 [tilespmem:s18+$0x2D0]  }
0x95: {  	s23 =	sshrl.u32 s23, $0xA;
	v7 =	vld @!p0 [tilespmem:s18+$0x2E0]  }
0x96: {  	s25 =	sshrl.u32 s25, $0xA;
	s23 =	smul.u32 $0x6, s23;
	v8 =	vld @!p0 [tilespmem:s18+$0x280];
	v3 =	vshll.u32 @!p0 v3, $0x1  }
0x97: {  	v2 =	vshll.u32 @!p0 v2, $0x1;
	s25 =	sand.u32 $0x3F, s25;
	v9 =	vld @!p0 [tilespmem:s18+$0x290];
	v3 =	vor.u32 @!p0 v0, v3;
	v4 =	vshll.u32 @!p0 v4, $0x1  }
0x98: {  	v2 =	vor.u32 @!p0 v0, v2;
	s25 =	smul.u32 $0x6, s25;
	s23 =	ssub.s32 s21, s23;
	[tilespmem:s18+$0x2A0] =	vst @!p0 v3;
	v3 =	vshll.u32 @!p0 v5, $0x1;
	v4 =	vor.u32 @!p0 v0, v4  }
0x99: {  	[tilespmem:s18+$0x2B0] =	vst @!p0 v2;
	v2 =	vor.u32 @!p0 v0, v3;
	v3 =	vshll.u32 @!p0 v6, $0x1  }
0x9a: {  	s25 =	ssub.s32 s24, s25;
	v3 =	vor.u32 @!p0 v0, v3;
	v5 =	vshll.u32 @!p0 v7, $0x1;
	[tilespmem:s18+$0x2F0] =	vst @!p0 v4  }
0x9b: {  	s25 =	sand.u32 $0xFF, s25;
	v4 =	vshll.u32 @!p0 v8, $0x1;
	[tilespmem:s18+$0x2C0] =	vst @!p0 v2;
	v2 =	vor.u32 @!p0 v0, v5  }
0x9c: {  	s25 =	sshll.u32 s25, $0xD;
	v4 =	vor.u32 @!p0 v0, v4;
	v5 =	vshll.u32 @!p0 v9, $0x1;
	[tilespmem:s18+$0x2D0] =	vst @!p0 v3  }
0x9d: {  	[tilespmem:s18+$0x280] =	vst @!p0 v4;
	v3 =	vor.u32 @!p0 v0, v5  }
0x9e: {  	p2 =	sgt.u32 s24, $0x97;
	s23 =	sand.u32 $0xFF, s23;
	s24 =	simm.s32 @!p0 $0x80;
	[tilespmem:s18+$0x2E0] =	vst @!p0 v2  }
0x9f: {  	s30 =	sshra.s32 s22, $0x2;
	p3 =	seq.s32 @!p2 s22, $0x0;
	s23 =	sshll.u32 @!p2 s23, $0xD;
	[tilespmem:s18+$0x290] =	vst @!p0 v3  }
0xa0: {  	[tilespmem:s16], [sflag:$0x1] =	stream.indirect.gather @!p0 [hbm4b:s1+s24], $0x40, s19, s24, $0xb8;
	[tilespmem:$0x1FD00] =	vst v63  }
0xa1: {  	p3 =	por p3, p2;
	s18 =	sadd.s32 $0x4E80, s30;
	_ =	swait.ge [sflag:s28], $0x2000  }
0xa2: {  	s24 =	simm.s32 @!p3 $0x2;
	s16 =	sadd.s32 @!p2 $0x9D00, s23;
	[sflag:s28] =	ssyncset.done $0x0  }
0xa3: {  	s19 =	sadd.s32 $0x9D00, s25;
	p0 =	por p2, p2;
	[sflag:s28] =	ssyncadd.s32 $0xFFFFE000  }
0xa4: {  	[spmem:s3] =	stream.indirect.scatter.add.f32 [tilespmem:s19], [sflag:$0x2], $0x40, s18, s17, $0xb8;
	[tilespmem:$0x1FD00] =	vst v63  }
.Ltmp1:
0xa5: {  	s18 =	sshra.s32 @!p0 s22, $0x2;
	_ =	swait.ge @!p3 [sflag:s24], $0x2000;
	(pc) =	sbr.rel @p1 .LBB2_4-.Ltmp1, $4  }
0xa6: {  	s19 =	sadd.s32 @!p0 $0x280, s18;
	[sflag:s24] =	ssyncset.done @!p3 $0x0  }
0xa7: {  	[sflag:s24] =	ssyncadd.s32 @!p3 $0xFFFFE000  }
0xa8: {  	v2 =	vld @!p0 [tilespmem:s18+$0x2B0]  }
0xa9: {  	s21 =	sadd.s32 $0x1, s21;
	v3 =	vld @!p0 [tilespmem:s18+$0x2A0]  }
0xaa: {  	v4 =	vld @!p0 [tilespmem:s18+$0x2F0]  }
0xab: {  	v5 =	vld @!p0 [tilespmem:s18+$0x2C0]  }
0xac: {  	v6 =	vld @!p0 [tilespmem:s18+$0x2D0]  }
0xad: {  	v8 =	vld @!p0 [tilespmem:s18+$0x280];
	v2 =	vshll.u32 @!p0 v2, $0x1  }
0xae: {  	v7 =	vld @!p0 [tilespmem:s18+$0x2E0];
	v3 =	vshll.u32 @!p0 v3, $0x1;
	v2 =	vor.u32 @!p0 v0, v2  }
0xaf: {  	v9 =	vld @!p0 [tilespmem:s18+$0x290];
	v3 =	vor.u32 @!p0 v0, v3;
	v4 =	vshll.u32 @!p0 v4, $0x1;
	[tilespmem:s18+$0x2B0] =	vst @!p0 v2  }
0xb0: {  	[tilespmem:s18+$0x2A0] =	vst @!p0 v3;
	v3 =	vshll.u32 @!p0 v5, $0x1;
	v4 =	vor.u32 @!p0 v0, v4  }
0xb1: {  	v2 =	vor.u32 @!p0 v0, v3;
	v3 =	vshll.u32 @!p0 v6, $0x1;
	[tilespmem:s18+$0x2F0] =	vst @!p0 v4  }
0xb2: {  	v4 =	vshll.u32 @!p0 v8, $0x1;
	v3 =	vor.u32 @!p0 v0, v3;
	[tilespmem:s18+$0x2C0] =	vst @!p0 v2  }
0xb3: {  	v2 =	vshll.u32 @!p0 v7, $0x1;
	v4 =	vor.u32 @!p0 v0, v4;
	[tilespmem:s18+$0x2D0] =	vst @!p0 v3  }
0xb4: {  	v2 =	vor.u32 @!p0 v0, v2;
	v3 =	vshll.u32 @!p0 v9, $0x1;
	[tilespmem:s18+$0x280] =	vst @!p0 v4  }
0xb5: {  	v3 =	vor.u32 @!p0 v0, v3;
	[tilespmem:s18+$0x2E0] =	vst @!p0 v2  }
0xb6: {  	s20 =	simm.s32 @!p0 $0x80;
	[tilespmem:s18+$0x290] =	vst @!p0 v3  }
0xb7: {  	[tilespmem:s16], [sflag:$0x1] =	stream.indirect.gather @!p0 [hbm4b:s1+s20], $0x40, s19, s20, $0xb8;
	[tilespmem:$0x1FD00] =	vst v63  }
0xb8: {  	_ =	swait.ge [sflag:s29], $0x2000  }
0xb9: {  	[sflag:s29] =	ssyncset.done $0x0  }
0xba: {  	[sflag:s29] =	ssyncadd.s32 $0xFFFFE000  }
0xbb: {  	_ =	swait.ge [sflag:s29], $0x2000  }
0xbc: {  	[sflag:s29] =	ssyncset.done $0x0  }
0xbd: {  	[sflag:s29] =	ssyncadd.s32 $0xFFFFE000  }
0xbe: {  	_ =	swait.ge [sflag:s29], $0x2000  }
0xbf: {  	[sflag:s29] =	ssyncset.done $0x0  }
0xc0: {  	[sflag:s29] =	ssyncadd.s32 $0xFFFFE000  }
0xc1: {  	_ =	swait.ge [sflag:s29], $0x2000  }
0xc2: {  	[sflag:s29] =	ssyncset.done $0x0  }
0xc3: {  	[sflag:s29] =	ssyncadd.s32 $0xFFFFE000  }
0xc4: {  	_ =	swait.ge [sflag:s29], $0x2000  }
0xc5: {  	[sflag:s29] =	ssyncset.done $0x0  }
0xc6: {  	[sflag:s29] =	ssyncadd.s32 $0xFFFFE000  }
0xc7: {  	s24 =	sshll.u32 s0, $0x6;
	_ =	swait.ge [sflag:s29], $0x2000  }
0xc8: {  	s25 =	sshrl.u32 s7, $0x3;
	s2 =	sadd.s32 $0x1, s2;
	[sflag:s29] =	ssyncset.done $0x0  }
0xc9: {  	s30 =	simm.s32 $0x10;
	p0 =	sne.s32 s2, s14;
	[sflag:s29] =	ssyncadd.s32 $0xFFFFE000  }
.Ltmp2:
0xca: {  	s16 =	sor.u32 $0x1C03, s24;
	[bflag:$0x0] =	sbarrier.arrive $0xFFFF;
	(pc) =	sbr.rel @p0 .LBB2_1-.Ltmp2, $4  }
0xcb: {  	[hbm:s13@s30], [sflag:s16] =	dma.strided [spmem:s25@s31], $0x1400, s28, $0x8   }
0xcc: {  	_ =	swait.ge [sflag:s15], $0x1400  }
0xcd: {  	[sflag:s15] =	ssyncset.done $0x0  }
0xce: {  	[sflag:s15] =	ssyncadd.s32 $0xFFFFEC00  }
0xcf: {  	_ =	sfence.sel $0x180000  }
0xd0: {  	[bflag:$0x0] =	sbarrier.arrive $0xFFFF  }
0xd1: {  	_ =	strace $0x90000047  }
0xd2: {  	[bflag:$0x2] =	sbarrier.arrive $0xFFFF  }
0xd3: {  	p0 =	sne.s32 s0, $0x0;
	s0 =	rddreg [dreg:$0x4]  }
0xd4: {  	s0 =	sadd.s32 @!p0 $0x100000, s0  }
0xd5: {  	[sflag:s0] =	ssyncadd.tile.s32 @!p0 $0x1;
	_ =	shalt  }
.Lfunc_end2:
_tile_overlayer_lowered:
.L_overlay_start_2:
0xd6: {  	(tag) =	ssettag $0x2  }
0xd7: {  	s0 =	rddreg [dreg:$0x0];
	s2 =	stileid.u32  }
0xd8: {  	s1 =	rddreg [dreg:$0x1];
	p0 =	sne.s32 s2, $0x0  }
0xd9: {  	s3 =	rddreg [dreg:$0x2];
	[bflag:$0x3] =	sbarrier.arrive $0xFFFF;
	s2 =	simm.s32 @!p0 $0x1C03  }
0xda: {  	[timem:s3], [sflag:s2] =	dma.local @!p0 [hbm:s0], s1  }
0xdb: {  	s0 =	simm.s32 @!p0 $0x3  }
0xdc: {  	_ =	swait.ge @!p0 [sflag:s0], s1  }
0xdd: {  	s1 =	ssub.s32 @!p0 $0x0, s1;
	[sflag:s0] =	ssyncset.done @!p0 $0x0  }
0xde: {  	[sflag:s0] =	ssyncadd.s32 @!p0 s1  }
0xdf: {  	[bflag:$0x3] =	sbarrier.arrive $0xFFFF  }
0xe0: {  	_ =	shalt  }

</sc_bundles>
